<compile_context>
chip_gen: v7x
topology: tpu7x:2x2x1
jax: 0.10.2.dev20260603
libtpu: 0.0.44.dev20260713+nightly
codegen_flags: <defaults>
</compile_context>

<pallas_src>
import functools

import jax
import jax.numpy as jnp
from jax import lax
from jax.experimental import pallas as pl
from jax.experimental.pallas import tpu as pltpu
from jax.experimental.pallas import tpu_sc as plsc

N_NODES = 10000
N_EDGES = 320000
NFEAT = 128
HIDDEN = 256
NCLASS = 6

NC = 2
NS = 16
NW = NC * NS
CHUNK = 128
EDGES_PER_W = N_EDGES // NW
NCHUNK = 80
PADW = NCHUNK * CHUNK - EDGES_PER_W
TRASH = N_NODES
ACC_ROWS = 10240
ZPT = ACC_ROWS // NS
OPT = 640
OLAST = N_NODES - OPT * (NS - 1)

_f32 = jnp.float32


def _copy_out_share(s, c, acc, out):
    @pl.when(s < NS - 1)
    def _():
        pltpu.sync_copy(acc.at[pl.ds(s * OPT, OPT)],
                        out.at[c, pl.ds(s * OPT, OPT)])

    @pl.when(s == NS - 1)
    def _():
        off = OPT * (NS - 1)
        pltpu.sync_copy(acc.at[pl.ds(off, OLAST)],
                        out.at[c, pl.ds(off, OLAST)])


def _sc_mesh():
    return plsc.VectorSubcoreMesh(
        core_axis_name="c", subcore_axis_name="s",
        num_cores=NC, num_subcores=NS)


def _make_deg_kernel():
    @functools.partial(
        pl.kernel,
        out_type=jax.ShapeDtypeStruct((NC, N_NODES, 16), _f32),
        mesh=_sc_mesh(),
        scratch_types=[
            pltpu.VMEM((NCHUNK, CHUNK), jnp.int32),
            pltpu.VMEM((CHUNK, 16), _f32),
            pltpu.VMEM_SHARED((ACC_ROWS, 16), _f32),
        ],
        compiler_params=pltpu.CompilerParams(use_tc_tiling_on_sc=False),
    )
    def deg_kernel(dstp, out, dst_v, buf_v, acc):
        c = lax.axis_index("c")
        s = lax.axis_index("s")
        wid = s * NC + c

        @pl.loop(0, CHUNK)
        def _zero_buf(i):
            buf_v[i, :] = jnp.zeros((16,), _f32)

        for k in range(ZPT // CHUNK):
            pltpu.sync_copy(buf_v, acc.at[pl.ds(s * ZPT + k * CHUNK, CHUNK)])

        pltpu.sync_copy(dstp.at[wid], dst_v)

        @pl.loop(0, CHUNK)
        def _fill_ones(i):
            buf_v[i, :] = jnp.ones((16,), _f32)

        plsc.subcore_barrier()

        @pl.loop(0, NCHUNK)
        def _scatter(j):
            pltpu.sync_copy(buf_v, acc.at[dst_v.at[j]], add=True)

        plsc.subcore_barrier()
        _copy_out_share(s, c, acc, out)

    return deg_kernel


def _make_agg_kernel(width, pipelined=False):
    @functools.partial(
        pl.kernel,
        out_type=jax.ShapeDtypeStruct((NC, N_NODES, width), _f32),
        mesh=_sc_mesh(),
        scratch_types=[
            pltpu.VMEM((NCHUNK, CHUNK), jnp.int32),
            pltpu.VMEM((NCHUNK, CHUNK), jnp.int32),
            pltpu.VMEM((CHUNK, width), _f32),
            pltpu.VMEM((CHUNK, width if pipelined else 16), _f32),
            pltpu.VMEM_SHARED((ACC_ROWS, width), _f32),
            pltpu.SemaphoreType.DMA,
        ],
        compiler_params=pltpu.CompilerParams(use_tc_tiling_on_sc=False),
    )
    def agg_kernel(table, srcp, dstp, out, src_v, dst_v, rows0, rows1, acc,
                   sem):
        c = lax.axis_index("c")
        s = lax.axis_index("s")
        wid = s * NC + c

        @pl.loop(0, CHUNK)
        def _zero_buf(i):
            for j in range(width // 16):
                rows0[i, pl.ds(j * 16, 16)] = jnp.zeros((16,), _f32)

        for k in range(ZPT // CHUNK):
            pltpu.sync_copy(rows0, acc.at[pl.ds(s * ZPT + k * CHUNK, CHUNK)])

        pltpu.sync_copy(srcp.at[wid], src_v)
        pltpu.sync_copy(dstp.at[wid], dst_v)
        plsc.subcore_barrier()

        if not pipelined:
            @pl.loop(0, NCHUNK)
            def _edge_chunk(j):
                pltpu.async_copy(table.at[src_v.at[j]], rows0, sem).wait()
                pltpu.sync_copy(rows0, acc.at[dst_v.at[j]], add=True)
        else:
            def start_g(j, buf):
                pltpu.async_copy(table.at[src_v.at[j]], buf, sem)

            def wait_g(j, buf):
                pltpu.make_async_copy(table.at[src_v.at[j]], buf, sem).wait()

            start_g(0, rows0)

            @pl.loop(0, NCHUNK, step=2)
            def _edge_pair(j):
                wait_g(j, rows0)
                start_g(j + 1, rows1)
                pltpu.sync_copy(rows0, acc.at[dst_v.at[j]], add=True)
                wait_g(j + 1, rows1)

                @pl.when(j + 2 < NCHUNK)
                def _():
                    start_g(j + 2, rows0)

                pltpu.sync_copy(rows1, acc.at[dst_v.at[j + 1]], add=True)

        plsc.subcore_barrier()
        _copy_out_share(s, c, acc, out)

    return agg_kernel


_TCB = 1000


def _tc_prep(degp, x):
    def body(d_ref, x_ref, xs_ref, db_ref):
        deg = d_ref[0] + d_ref[1] + 1.0
        dinv = lax.rsqrt(deg)
        db = jnp.broadcast_to(dinv[:, 0:1], (_TCB, NFEAT))
        db_ref[...] = db
        xs_ref[...] = x_ref[...] * db

    return pl.pallas_call(
        body,
        grid=(N_NODES // _TCB,),
        in_specs=[
            pl.BlockSpec((NC, _TCB, 16), lambda i: (0, i, 0)),
            pl.BlockSpec((_TCB, NFEAT), lambda i: (i, 0)),
        ],
        out_specs=[
            pl.BlockSpec((_TCB, NFEAT), lambda i: (i, 0)),
            pl.BlockSpec((_TCB, NFEAT), lambda i: (i, 0)),
        ],
        out_shape=[
            jax.ShapeDtypeStruct((N_NODES, NFEAT), _f32),
            jax.ShapeDtypeStruct((N_NODES, NFEAT), _f32),
        ],
    )(degp, x)


def _tc_mid(S, xs, db, W1, b1r, W2p):
    def body(s_ref, xs_ref, db_ref, w1_ref, b1_ref, w2_ref, ps_ref):
        db = db_ref[...]
        z = (s_ref[0] + s_ref[1] + xs_ref[...]) * db
        h = jnp.dot(z, w1_ref[...], preferred_element_type=_f32,
                    precision=lax.Precision.HIGHEST) + b1_ref[...]
        h = jnp.maximum(h, 0.0)
        p = jnp.dot(h, w2_ref[...], preferred_element_type=_f32,
                    precision=lax.Precision.HIGHEST)
        ps_ref[...] = p * db[:, :16]

    return pl.pallas_call(
        body,
        grid=(N_NODES // _TCB,),
        in_specs=[
            pl.BlockSpec((NC, _TCB, NFEAT), lambda i: (0, i, 0)),
            pl.BlockSpec((_TCB, NFEAT), lambda i: (i, 0)),
            pl.BlockSpec((_TCB, NFEAT), lambda i: (i, 0)),
            pl.BlockSpec((NFEAT, HIDDEN), lambda i: (0, 0)),
            pl.BlockSpec((1, HIDDEN), lambda i: (0, 0)),
            pl.BlockSpec((HIDDEN, 16), lambda i: (0, 0)),
        ],
        out_specs=pl.BlockSpec((_TCB, 16), lambda i: (i, 0)),
        out_shape=jax.ShapeDtypeStruct((N_NODES, 16), _f32),
    )(S, xs, db, W1, b1r, W2p)


def _tc_final(T, ps, db, b2r):
    def body(t_ref, ps_ref, db_ref, b2_ref, o_ref):
        o_ref[...] = ((t_ref[0] + t_ref[1] + ps_ref[...])
                      * db_ref[...] + b2_ref[...])

    return pl.pallas_call(
        body,
        grid=(N_NODES // _TCB,),
        in_specs=[
            pl.BlockSpec((NC, _TCB, 16), lambda i: (0, i, 0)),
            pl.BlockSpec((_TCB, 16), lambda i: (i, 0)),
            pl.BlockSpec((_TCB, 16), lambda i: (i, 0)),
            pl.BlockSpec((1, 16), lambda i: (0, 0)),
        ],
        out_specs=pl.BlockSpec((_TCB, 16), lambda i: (i, 0)),
        out_shape=jax.ShapeDtypeStruct((N_NODES, 16), _f32),
    )(T, ps, db, b2r)


def _edge_layout(idx, trash):
    base = TRASH if trash else 0
    pad_row = base + jnp.arange(PADW, dtype=jnp.int32)
    pads = jnp.broadcast_to(pad_row, (NW, PADW))
    body = idx.reshape(NW, EDGES_PER_W)
    return jnp.concatenate([body, pads], axis=1).reshape(NW, NCHUNK, CHUNK)


def kernel(x, edge_index, W1, b1, W2, b2):
    srcp = _edge_layout(edge_index[0].astype(jnp.int32), False)
    dstp = _edge_layout(edge_index[1].astype(jnp.int32), True)

    degp = _make_deg_kernel()(dstp)
    xs, db = _tc_prep(degp, x)
    S = _make_agg_kernel(NFEAT)(xs, srcp, dstp)

    W2p = jnp.zeros((HIDDEN, 16), _f32).at[:, :NCLASS].set(W2)
    ps = _tc_mid(S, xs, db, W1, b1.reshape(1, HIDDEN), W2p)
    T = _make_agg_kernel(16, pipelined=True)(ps, srcp, dstp)

    b2r = jnp.zeros((1, 16), _f32).at[0, :NCLASS].set(b2)
    out16 = _tc_final(T, ps, db[:, :16], b2r)
    return out16[:, :NCLASS]

# --- scband reference (transcript-rebuilt; emitter-appended) ---
"""Pipeline reference for scband-gcn2-7730941133132 (READ-ONLY COPY).

The authoritative reference and input builder live on the scoring server;
editing this copy changes nothing except your own understanding.
"""

import jax, jax.numpy as jnp
import numpy as np

N_NODES = 10000
N_EDGES = 320000
NFEAT = 128
HIDDEN = 256
NCLASS = 6


def gcn_conv(x, edge_index, W, b):
    # linear transform
    h = x @ W
    n = x.shape[0]
    src = edge_index[0]
    dst = edge_index[1]
    # add self loops
    loop = jnp.arange(n, dtype=edge_index.dtype)
    src = jnp.concatenate([src, loop])
    dst = jnp.concatenate([dst, loop])
    # symmetric normalization with unit edge weights
    deg = jnp.zeros((n,), dtype=h.dtype).at[dst].add(1.0)
    deg_inv_sqrt = jnp.where(deg > 0, 1.0 / jnp.sqrt(deg), 0.0)
    norm = deg_inv_sqrt[src] * deg_inv_sqrt[dst]
    # gather messages, scale, scatter-add to destination
    msg = h[src] * norm[:, None]
    out = jnp.zeros((n, h.shape[1]), dtype=h.dtype).at[dst].add(msg)
    return out + b


def setup_inputs(seed: int = 0) -> dict:
    key = jax.random.key(seed)
    k_x, k_ei, k_w1, k_b1, k_w2, k_b2 = jax.random.split(key, 6)
    x = jax.random.normal(k_x, (N_NODES, NFEAT), dtype=jnp.float32)
    edge_index = jax.random.randint(k_ei, (2, N_EDGES), 0, N_NODES, dtype=jnp.int64)
    # glorot-style init for GCNConv weights
    s1 = 1.0 / np.sqrt(NFEAT)
    W1 = jax.random.uniform(k_w1, (NFEAT, HIDDEN), dtype=jnp.float32, minval=-s1, maxval=s1)
    b1 = jnp.zeros((HIDDEN,), dtype=jnp.float32)
    s2 = 1.0 / np.sqrt(HIDDEN)
    W2 = jax.random.uniform(k_w2, (HIDDEN, NCLASS), dtype=jnp.float32, minval=-s2, maxval=s2)
    b2 = jnp.zeros((NCLASS,), dtype=jnp.float32)
    return {"x": x, "edge_index": edge_index, "W1": W1, "b1": b1, "W2": W2, "b2": b2}


def reference(x, edge_index, W1, b1, W2, b2):
    h = gcn_conv(x, edge_index, W1, b1)
    h = jax.nn.relu(h)
    # F.dropout(x, training=self.training): identity in eval mode
    out = gcn_conv(h, edge_index, W2, b2)
    return out

if __name__ == "__main__":
    import jax
    _d = setup_inputs()
    print(jax.jit(kernel)(*tuple(_d.values())))

</pallas_src>

<mosaic_0001>
#map = affine_map<(d0, d1) -> (0, 0)>
#map1 = affine_map<(d0, d1) -> (0, 0, 0)>
module attributes {stable_mosaic.version = 14 : i64} {
  func.func @agg_kernel(%arg0: i32, %arg1: i32, %arg2: memref<10000x16xf32, #tpu.memory_space<hbm>>, %arg3: memref<32x80x128xi32, #tpu.memory_space<hbm>>, %arg4: memref<32x80x128xi32, #tpu.memory_space<hbm>>, %arg5: memref<2x10000x16xf32, #tpu.memory_space<hbm>>, %arg6: memref<80x128xi32, #tpu.memory_space<vmem>>, %arg7: memref<80x128xi32, #tpu.memory_space<vmem>>, %arg8: memref<128x16xf32, #tpu.memory_space<vmem>>, %arg9: memref<128x16xf32, #tpu.memory_space<vmem>>, %arg10: memref<10240x16xf32, #tpu.memory_space<vmem_shared>>, %arg11: memref<!tpu.dma_semaphore, #tpu.memory_space<semaphore_mem>>) attributes {dimension_semantics = [#tpu.dimension_semantics<core_parallel>, #tpu.dimension_semantics<subcore_parallel>], iteration_bounds = array<i64: 2, 16>, scalar_prefetch = 0 : i64, scratch_operands = 6 : i64, tpu.core_type = #tpu.core_type<sc_vector_subcore>, window_params = [{transform_indices = #map}, {transform_indices = #map1}, {transform_indices = #map1}, {transform_indices = #map1}]} {
    %mul3A = arith.constant 2 : i32
    %mul3A_0 = arith.muli %arg1, %mul3A : i32
    %add3A = arith.addi %mul3A_0, %arg0 : i32
    %scan3A = arith.constant 0 : i32
    %scan3A_1 = arith.constant 128 : i32
    %scan3A_2 = arith.addi %scan3A, %scan3A_1 : i32
    %scan3A_3 = arith.constant 1 : i32
    scf.for %scan3A_43 = %scan3A to %scan3A_2 step %scan3A_3  : i32 {
      %mul3A_44 = arith.constant 1 : i32
      %mul3A_45 = arith.muli %scan3A_43, %mul3A_44 : i32
      %add3A_46 = arith.constant 0 : i32
      %add3A_47 = arith.addi %add3A_46, %mul3A_45 : i32
      %broadcast_in_dim3A = arith.constant 0.000000e+00 : f32
      %broadcast_in_dim3A_48 = vector.broadcast %broadcast_in_dim3A : f32 to vector<16xf32>
      %swap3A = arith.index_cast %add3A_47 : i32 to index
      %swap3A_49 = arith.constant 0 : index
      %swap3A_50 = tpu.vector_load %arg8[%swap3A, %swap3A_49] {strides = array<i32>} : memref<128x16xf32, #tpu.memory_space<vmem>>, vector<1x16xf32>,
      %swap3A_51 = vector.shape_cast %swap3A_50 : vector<1x16xf32> to vector<16xf32>
      %swap3A_52 = vector.shape_cast %broadcast_in_dim3A_48 : vector<16xf32> to vector<1x16xf32>
      tpu.vector_store %arg8[%swap3A, %swap3A_49], %swap3A_52 {strides = array<i32>} : memref<128x16xf32, #tpu.memory_space<vmem>>, vector<1x16xf32>,
    }
    %scan3A_4 = arith.constant 128 : i32
    %mul3A_5 = arith.constant 640 : i32
    %mul3A_6 = arith.muli %arg1, %mul3A_5 : i32
    %add3A_7 = arith.constant 0 : i32
    %add3A_8 = arith.addi %mul3A_6, %add3A_7 : i32
    "tpu.region"() ({
      %run_scoped3A = tpu.sem_alloc : memref<!tpu.dma_semaphore, #tpu.memory_space<semaphore_mem>>
      %dma_start3A_43 = arith.constant 0 : i32
      %dma_start3A_44 = tpu.memref_slice %arg10[%add3A_8, %dma_start3A_43] : memref<10240x16xf32, #tpu.memory_space<vmem_shared>> -> memref<128x16xf32, #tpu.memory_space<vmem_shared>>
      %dma_start3A_45 = arith.constant 0 : i32
      %dma_start3A_46 = tpu.memref_slice %arg10[%add3A_8, %dma_start3A_45] : memref<10240x16xf32, #tpu.memory_space<vmem_shared>> -> memref<128x16xf32, #tpu.memory_space<vmem_shared>>
      tpu.enqueue_dma source(%arg8 : memref<128x16xf32, #tpu.memory_space<vmem>>) target(%dma_start3A_46 : memref<128x16xf32, #tpu.memory_space<vmem_shared>>) target_semaphore(%run_scoped3A : memref<!tpu.dma_semaphore, #tpu.memory_space<semaphore_mem>>)
      %dma_wait3A = arith.constant 0 : i32
      %dma_wait3A_47 = tpu.memref_slice %arg10[%add3A_8, %dma_wait3A] : memref<10240x16xf32, #tpu.memory_space<vmem_shared>> -> memref<128x16xf32, #tpu.memory_space<vmem_shared>>
      %dma_wait3A_48 = arith.constant 0 : i32
      %dma_wait3A_49 = tpu.memref_slice %arg10[%add3A_8, %dma_wait3A_48] : memref<10240x16xf32, #tpu.memory_space<vmem_shared>> -> memref<128x16xf32, #tpu.memory_space<vmem_shared>>
      tpu.wait_dma2 semaphore(%run_scoped3A : memref<!tpu.dma_semaphore, #tpu.memory_space<semaphore_mem>>) src(%arg8 : memref<128x16xf32, #tpu.memory_space<vmem>>) dst(%dma_wait3A_49 : memref<128x16xf32, #tpu.memory_space<vmem_shared>>)
      tpu.yield
    }) : () -> ()
    %mul3A_9 = arith.constant 640 : i32
    %mul3A_10 = arith.muli %arg1, %mul3A_9 : i32
    %add3A_11 = arith.constant 128 : i32
    %add3A_12 = arith.addi %mul3A_10, %add3A_11 : i32
    "tpu.region"() ({
      %run_scoped3A = tpu.sem_alloc : memref<!tpu.dma_semaphore, #tpu.memory_space<semaphore_mem>>
      %dma_start3A_43 = arith.constant 0 : i32
      %dma_start3A_44 = tpu.memref_slice %arg10[%add3A_12, %dma_start3A_43] : memref<10240x16xf32, #tpu.memory_space<vmem_shared>> -> memref<128x16xf32, #tpu.memory_space<vmem_shared>>
      %dma_start3A_45 = arith.constant 0 : i32
      %dma_start3A_46 = tpu.memref_slice %arg10[%add3A_12, %dma_start3A_45] : memref<10240x16xf32, #tpu.memory_space<vmem_shared>> -> memref<128x16xf32, #tpu.memory_space<vmem_shared>>
      tpu.enqueue_dma source(%arg8 : memref<128x16xf32, #tpu.memory_space<vmem>>) target(%dma_start3A_46 : memref<128x16xf32, #tpu.memory_space<vmem_shared>>) target_semaphore(%run_scoped3A : memref<!tpu.dma_semaphore, #tpu.memory_space<semaphore_mem>>)
      %dma_wait3A = arith.constant 0 : i32
      %dma_wait3A_47 = tpu.memref_slice %arg10[%add3A_12, %dma_wait3A] : memref<10240x16xf32, #tpu.memory_space<vmem_shared>> -> memref<128x16xf32, #tpu.memory_space<vmem_shared>>
      %dma_wait3A_48 = arith.constant 0 : i32
      %dma_wait3A_49 = tpu.memref_slice %arg10[%add3A_12, %dma_wait3A_48] : memref<10240x16xf32, #tpu.memory_space<vmem_shared>> -> memref<128x16xf32, #tpu.memory_space<vmem_shared>>
      tpu.wait_dma2 semaphore(%run_scoped3A : memref<!tpu.dma_semaphore, #tpu.memory_space<semaphore_mem>>) src(%arg8 : memref<128x16xf32, #tpu.memory_space<vmem>>) dst(%dma_wait3A_49 : memref<128x16xf32, #tpu.memory_space<vmem_shared>>)
      tpu.yield
    }) : () -> ()
    %mul3A_13 = arith.constant 640 : i32
    %mul3A_14 = arith.muli %arg1, %mul3A_13 : i32
    %add3A_15 = arith.constant 256 : i32
    %add3A_16 = arith.addi %mul3A_14, %add3A_15 : i32
    "tpu.region"() ({
      %run_scoped3A = tpu.sem_alloc : memref<!tpu.dma_semaphore, #tpu.memory_space<semaphore_mem>>
      %dma_start3A_43 = arith.constant 0 : i32
      %dma_start3A_44 = tpu.memref_slice %arg10[%add3A_16, %dma_start3A_43] : memref<10240x16xf32, #tpu.memory_space<vmem_shared>> -> memref<128x16xf32, #tpu.memory_space<vmem_shared>>
      %dma_start3A_45 = arith.constant 0 : i32
      %dma_start3A_46 = tpu.memref_slice %arg10[%add3A_16, %dma_start3A_45] : memref<10240x16xf32, #tpu.memory_space<vmem_shared>> -> memref<128x16xf32, #tpu.memory_space<vmem_shared>>
      tpu.enqueue_dma source(%arg8 : memref<128x16xf32, #tpu.memory_space<vmem>>) target(%dma_start3A_46 : memref<128x16xf32, #tpu.memory_space<vmem_shared>>) target_semaphore(%run_scoped3A : memref<!tpu.dma_semaphore, #tpu.memory_space<semaphore_mem>>)
      %dma_wait3A = arith.constant 0 : i32
      %dma_wait3A_47 = tpu.memref_slice %arg10[%add3A_16, %dma_wait3A] : memref<10240x16xf32, #tpu.memory_space<vmem_shared>> -> memref<128x16xf32, #tpu.memory_space<vmem_shared>>
      %dma_wait3A_48 = arith.constant 0 : i32
      %dma_wait3A_49 = tpu.memref_slice %arg10[%add3A_16, %dma_wait3A_48] : memref<10240x16xf32, #tpu.memory_space<vmem_shared>> -> memref<128x16xf32, #tpu.memory_space<vmem_shared>>
      tpu.wait_dma2 semaphore(%run_scoped3A : memref<!tpu.dma_semaphore, #tpu.memory_space<semaphore_mem>>) src(%arg8 : memref<128x16xf32, #tpu.memory_space<vmem>>) dst(%dma_wait3A_49 : memref<128x16xf32, #tpu.memory_space<vmem_shared>>)
      tpu.yield
    }) : () -> ()
    %mul3A_17 = arith.constant 640 : i32
    %mul3A_18 = arith.muli %arg1, %mul3A_17 : i32
    %add3A_19 = arith.constant 384 : i32
    %add3A_20 = arith.addi %mul3A_18, %add3A_19 : i32
    "tpu.region"() ({
      %run_scoped3A = tpu.sem_alloc : memref<!tpu.dma_semaphore, #tpu.memory_space<semaphore_mem>>
      %dma_start3A_43 = arith.constant 0 : i32
      %dma_start3A_44 = tpu.memref_slice %arg10[%add3A_20, %dma_start3A_43] : memref<10240x16xf32, #tpu.memory_space<vmem_shared>> -> memref<128x16xf32, #tpu.memory_space<vmem_shared>>
      %dma_start3A_45 = arith.constant 0 : i32
      %dma_start3A_46 = tpu.memref_slice %arg10[%add3A_20, %dma_start3A_45] : memref<10240x16xf32, #tpu.memory_space<vmem_shared>> -> memref<128x16xf32, #tpu.memory_space<vmem_shared>>
      tpu.enqueue_dma source(%arg8 : memref<128x16xf32, #tpu.memory_space<vmem>>) target(%dma_start3A_46 : memref<128x16xf32, #tpu.memory_space<vmem_shared>>) target_semaphore(%run_scoped3A : memref<!tpu.dma_semaphore, #tpu.memory_space<semaphore_mem>>)
      %dma_wait3A = arith.constant 0 : i32
      %dma_wait3A_47 = tpu.memref_slice %arg10[%add3A_20, %dma_wait3A] : memref<10240x16xf32, #tpu.memory_space<vmem_shared>> -> memref<128x16xf32, #tpu.memory_space<vmem_shared>>
      %dma_wait3A_48 = arith.constant 0 : i32
      %dma_wait3A_49 = tpu.memref_slice %arg10[%add3A_20, %dma_wait3A_48] : memref<10240x16xf32, #tpu.memory_space<vmem_shared>> -> memref<128x16xf32, #tpu.memory_space<vmem_shared>>
      tpu.wait_dma2 semaphore(%run_scoped3A : memref<!tpu.dma_semaphore, #tpu.memory_space<semaphore_mem>>) src(%arg8 : memref<128x16xf32, #tpu.memory_space<vmem>>) dst(%dma_wait3A_49 : memref<128x16xf32, #tpu.memory_space<vmem_shared>>)
      tpu.yield
    }) : () -> ()
    %mul3A_21 = arith.constant 640 : i32
    %mul3A_22 = arith.muli %arg1, %mul3A_21 : i32
    %add3A_23 = arith.constant 512 : i32
    %add3A_24 = arith.addi %mul3A_22, %add3A_23 : i32
    "tpu.region"() ({
      %run_scoped3A = tpu.sem_alloc : memref<!tpu.dma_semaphore, #tpu.memory_space<semaphore_mem>>
      %dma_start3A_43 = arith.constant 0 : i32
      %dma_start3A_44 = tpu.memref_slice %arg10[%add3A_24, %dma_start3A_43] : memref<10240x16xf32, #tpu.memory_space<vmem_shared>> -> memref<128x16xf32, #tpu.memory_space<vmem_shared>>
      %dma_start3A_45 = arith.constant 0 : i32
      %dma_start3A_46 = tpu.memref_slice %arg10[%add3A_24, %dma_start3A_45] : memref<10240x16xf32, #tpu.memory_space<vmem_shared>> -> memref<128x16xf32, #tpu.memory_space<vmem_shared>>
      tpu.enqueue_dma source(%arg8 : memref<128x16xf32, #tpu.memory_space<vmem>>) target(%dma_start3A_46 : memref<128x16xf32, #tpu.memory_space<vmem_shared>>) target_semaphore(%run_scoped3A : memref<!tpu.dma_semaphore, #tpu.memory_space<semaphore_mem>>)
      %dma_wait3A = arith.constant 0 : i32
      %dma_wait3A_47 = tpu.memref_slice %arg10[%add3A_24, %dma_wait3A] : memref<10240x16xf32, #tpu.memory_space<vmem_shared>> -> memref<128x16xf32, #tpu.memory_space<vmem_shared>>
      %dma_wait3A_48 = arith.constant 0 : i32
      %dma_wait3A_49 = tpu.memref_slice %arg10[%add3A_24, %dma_wait3A_48] : memref<10240x16xf32, #tpu.memory_space<vmem_shared>> -> memref<128x16xf32, #tpu.memory_space<vmem_shared>>
      tpu.wait_dma2 semaphore(%run_scoped3A : memref<!tpu.dma_semaphore, #tpu.memory_space<semaphore_mem>>) src(%arg8 : memref<128x16xf32, #tpu.memory_space<vmem>>) dst(%dma_wait3A_49 : memref<128x16xf32, #tpu.memory_space<vmem_shared>>)
      tpu.yield
    }) : () -> ()
    "tpu.region"() ({
      %run_scoped3A = tpu.sem_alloc : memref<!tpu.dma_semaphore, #tpu.memory_space<semaphore_mem>>
      %dma_start3A_43 = arith.constant 0 : i32
      %dma_start3A_44 = arith.constant 0 : i32
      %dma_start3A_45 = tpu.memref_slice %arg3[%add3A, %dma_start3A_43, %dma_start3A_44] : memref<32x80x128xi32, #tpu.memory_space<hbm>> -> memref<1x80x128xi32, #tpu.memory_space<hbm>>
      %dma_start3A_46 = tpu.memref_squeeze %dma_start3A_45 : memref<1x80x128xi32, #tpu.memory_space<hbm>> -> memref<80x128xi32, #tpu.memory_space<hbm>>
      %dma_start3A_47 = arith.constant 0 : i32
      %dma_start3A_48 = arith.constant 0 : i32
      %dma_start3A_49 = tpu.memref_slice %arg3[%add3A, %dma_start3A_47, %dma_start3A_48] : memref<32x80x128xi32, #tpu.memory_space<hbm>> -> memref<1x80x128xi32, #tpu.memory_space<hbm>>
      %dma_start3A_50 = tpu.memref_squeeze %dma_start3A_49 : memref<1x80x128xi32, #tpu.memory_space<hbm>> -> memref<80x128xi32, #tpu.memory_space<hbm>>
      tpu.enqueue_dma source(%dma_start3A_50 : memref<80x128xi32, #tpu.memory_space<hbm>>) target(%arg6 : memref<80x128xi32, #tpu.memory_space<vmem>>) target_semaphore(%run_scoped3A : memref<!tpu.dma_semaphore, #tpu.memory_space<semaphore_mem>>)
      %dma_wait3A = arith.constant 0 : i32
      %dma_wait3A_51 = arith.constant 0 : i32
      %dma_wait3A_52 = tpu.memref_slice %arg3[%add3A, %dma_wait3A, %dma_wait3A_51] : memref<32x80x128xi32, #tpu.memory_space<hbm>> -> memref<1x80x128xi32, #tpu.memory_space<hbm>>
      %dma_wait3A_53 = tpu.memref_squeeze %dma_wait3A_52 : memref<1x80x128xi32, #tpu.memory_space<hbm>> -> memref<80x128xi32, #tpu.memory_space<hbm>>
      %dma_wait3A_54 = arith.constant 0 : i32
      %dma_wait3A_55 = arith.constant 0 : i32
      %dma_wait3A_56 = tpu.memref_slice %arg3[%add3A, %dma_wait3A_54, %dma_wait3A_55] : memref<32x80x128xi32, #tpu.memory_space<hbm>> -> memref<1x80x128xi32, #tpu.memory_space<hbm>>
      %dma_wait3A_57 = tpu.memref_squeeze %dma_wait3A_56 : memref<1x80x128xi32, #tpu.memory_space<hbm>> -> memref<80x128xi32, #tpu.memory_space<hbm>>
      tpu.wait_dma2 semaphore(%run_scoped3A : memref<!tpu.dma_semaphore, #tpu.memory_space<semaphore_mem>>) src(%dma_wait3A_57 : memref<80x128xi32, #tpu.memory_space<hbm>>) dst(%arg6 : memref<80x128xi32, #tpu.memory_space<vmem>>)
      tpu.yield
    }) : () -> ()
    "tpu.region"() ({
      %run_scoped3A = tpu.sem_alloc : memref<!tpu.dma_semaphore, #tpu.memory_space<semaphore_mem>>
      %dma_start3A_43 = arith.constant 0 : i32
      %dma_start3A_44 = arith.constant 0 : i32
      %dma_start3A_45 = tpu.memref_slice %arg4[%add3A, %dma_start3A_43, %dma_start3A_44] : memref<32x80x128xi32, #tpu.memory_space<hbm>> -> memref<1x80x128xi32, #tpu.memory_space<hbm>>
      %dma_start3A_46 = tpu.memref_squeeze %dma_start3A_45 : memref<1x80x128xi32, #tpu.memory_space<hbm>> -> memref<80x128xi32, #tpu.memory_space<hbm>>
      %dma_start3A_47 = arith.constant 0 : i32
      %dma_start3A_48 = arith.constant 0 : i32
      %dma_start3A_49 = tpu.memref_slice %arg4[%add3A, %dma_start3A_47, %dma_start3A_48] : memref<32x80x128xi32, #tpu.memory_space<hbm>> -> memref<1x80x128xi32, #tpu.memory_space<hbm>>
      %dma_start3A_50 = tpu.memref_squeeze %dma_start3A_49 : memref<1x80x128xi32, #tpu.memory_space<hbm>> -> memref<80x128xi32, #tpu.memory_space<hbm>>
      tpu.enqueue_dma source(%dma_start3A_50 : memref<80x128xi32, #tpu.memory_space<hbm>>) target(%arg7 : memref<80x128xi32, #tpu.memory_space<vmem>>) target_semaphore(%run_scoped3A : memref<!tpu.dma_semaphore, #tpu.memory_space<semaphore_mem>>)
      %dma_wait3A = arith.constant 0 : i32
      %dma_wait3A_51 = arith.constant 0 : i32
      %dma_wait3A_52 = tpu.memref_slice %arg4[%add3A, %dma_wait3A, %dma_wait3A_51] : memref<32x80x128xi32, #tpu.memory_space<hbm>> -> memref<1x80x128xi32, #tpu.memory_space<hbm>>
      %dma_wait3A_53 = tpu.memref_squeeze %dma_wait3A_52 : memref<1x80x128xi32, #tpu.memory_space<hbm>> -> memref<80x128xi32, #tpu.memory_space<hbm>>
      %dma_wait3A_54 = arith.constant 0 : i32
      %dma_wait3A_55 = arith.constant 0 : i32
      %dma_wait3A_56 = tpu.memref_slice %arg4[%add3A, %dma_wait3A_54, %dma_wait3A_55] : memref<32x80x128xi32, #tpu.memory_space<hbm>> -> memref<1x80x128xi32, #tpu.memory_space<hbm>>
      %dma_wait3A_57 = tpu.memref_squeeze %dma_wait3A_56 : memref<1x80x128xi32, #tpu.memory_space<hbm>> -> memref<80x128xi32, #tpu.memory_space<hbm>>
      tpu.wait_dma2 semaphore(%run_scoped3A : memref<!tpu.dma_semaphore, #tpu.memory_space<semaphore_mem>>) src(%dma_wait3A_57 : memref<80x128xi32, #tpu.memory_space<hbm>>) dst(%arg7 : memref<80x128xi32, #tpu.memory_space<vmem>>)
      tpu.yield
    }) : () -> ()
    %barrier3A = arith.constant 0 : index
    tpu.barrier barrier_id(%barrier3A)
    %dma_start3A = arith.constant 0 : i32
    %dma_start3A_25 = arith.constant 0 : i32
    %dma_start3A_26 = tpu.memref_slice %arg6[%dma_start3A, %dma_start3A_25] : memref<80x128xi32, #tpu.memory_space<vmem>> -> memref<1x128xi32, #tpu.memory_space<vmem>>
    %dma_start3A_27 = tpu.memref_squeeze %dma_start3A_26 : memref<1x128xi32, #tpu.memory_space<vmem>> -> memref<128xi32, #tpu.memory_space<vmem>>
    %dma_start3A_28 = arith.constant 0 : i32
    %dma_start3A_29 = arith.constant 0 : i32
    %dma_start3A_30 = tpu.memref_slice %arg2[%dma_start3A_28, %dma_start3A_29] : memref<10000x16xf32, #tpu.memory_space<hbm>> -> memref<10000x16xf32, #tpu.memory_space<hbm>>
    tpu.enqueue_indirect_dma source(%dma_start3A_30 : memref<10000x16xf32, #tpu.memory_space<hbm>>) target(%arg8 : memref<128x16xf32, #tpu.memory_space<vmem>>) offsets(%dma_start3A_27 : memref<128xi32, #tpu.memory_space<vmem>>) semaphore(%arg11 : memref<!tpu.dma_semaphore, #tpu.memory_space<semaphore_mem>>)
    %scan3A_31 = arith.constant 0 : i32
    %scan3A_32 = arith.constant 40 : i32
    %scan3A_33 = arith.addi %scan3A_31, %scan3A_32 : i32
    %scan3A_34 = arith.constant 1 : i32
    scf.for %scan3A_43 = %scan3A_31 to %scan3A_33 step %scan3A_34  : i32 {
      %mul3A_44 = arith.constant 2 : i32
      %mul3A_45 = arith.muli %scan3A_43, %mul3A_44 : i32
      %add3A_46 = arith.constant 0 : i32
      %add3A_47 = arith.addi %add3A_46, %mul3A_45 : i32
      %dma_wait3A = arith.constant 0 : i32
      %dma_wait3A_48 = tpu.memref_slice %arg6[%add3A_47, %dma_wait3A] : memref<80x128xi32, #tpu.memory_space<vmem>> -> memref<1x128xi32, #tpu.memory_space<vmem>>
      %dma_wait3A_49 = tpu.memref_squeeze %dma_wait3A_48 : memref<1x128xi32, #tpu.memory_space<vmem>> -> memref<128xi32, #tpu.memory_space<vmem>>
      %dma_wait3A_50 = arith.constant 0 : i32
      %dma_wait3A_51 = arith.constant 0 : i32
      %dma_wait3A_52 = tpu.memref_slice %arg2[%dma_wait3A_50, %dma_wait3A_51] : memref<10000x16xf32, #tpu.memory_space<hbm>> -> memref<10000x16xf32, #tpu.memory_space<hbm>>
      tpu.wait_indirect_dma semaphore(%arg11 : memref<!tpu.dma_semaphore, #tpu.memory_space<semaphore_mem>>) src(%dma_wait3A_52 : memref<10000x16xf32, #tpu.memory_space<hbm>>) dst(%arg8 : memref<128x16xf32, #tpu.memory_space<vmem>>)
      %add3A_53 = arith.constant 1 : i32
      %add3A_54 = arith.addi %add3A_47, %add3A_53 : i32
      %dma_start3A_55 = arith.constant 0 : i32
      %dma_start3A_56 = tpu.memref_slice %arg6[%add3A_54, %dma_start3A_55] : memref<80x128xi32, #tpu.memory_space<vmem>> -> memref<1x128xi32, #tpu.memory_space<vmem>>
      %dma_start3A_57 = tpu.memref_squeeze %dma_start3A_56 : memref<1x128xi32, #tpu.memory_space<vmem>> -> memref<128xi32, #tpu.memory_space<vmem>>
      %dma_start3A_58 = arith.constant 0 : i32
      %dma_start3A_59 = arith.constant 0 : i32
      %dma_start3A_60 = tpu.memref_slice %arg2[%dma_start3A_58, %dma_start3A_59] : memref<10000x16xf32, #tpu.memory_space<hbm>> -> memref<10000x16xf32, #tpu.memory_space<hbm>>
      tpu.enqueue_indirect_dma source(%dma_start3A_60 : memref<10000x16xf32, #tpu.memory_space<hbm>>) target(%arg9 : memref<128x16xf32, #tpu.memory_space<vmem>>) offsets(%dma_start3A_57 : memref<128xi32, #tpu.memory_space<vmem>>) semaphore(%arg11 : memref<!tpu.dma_semaphore, #tpu.memory_space<semaphore_mem>>)
      "tpu.region"() ({
        %run_scoped3A = tpu.sem_alloc : memref<!tpu.dma_semaphore, #tpu.memory_space<semaphore_mem>>
        %dma_start3A_78 = arith.constant 0 : i32
        %dma_start3A_79 = tpu.memref_slice %arg7[%add3A_47, %dma_start3A_78] : memref<80x128xi32, #tpu.memory_space<vmem>> -> memref<1x128xi32, #tpu.memory_space<vmem>>
        %dma_start3A_80 = tpu.memref_squeeze %dma_start3A_79 : memref<1x128xi32, #tpu.memory_space<vmem>> -> memref<128xi32, #tpu.memory_space<vmem>>
        %dma_start3A_81 = arith.constant 0 : i32
        %dma_start3A_82 = arith.constant 0 : i32
        %dma_start3A_83 = tpu.memref_slice %arg10[%dma_start3A_81, %dma_start3A_82] : memref<10240x16xf32, #tpu.memory_space<vmem_shared>> -> memref<10240x16xf32, #tpu.memory_space<vmem_shared>>
        tpu.enqueue_indirect_dma source(%arg8 : memref<128x16xf32, #tpu.memory_space<vmem>>) target(%dma_start3A_83 : memref<10240x16xf32, #tpu.memory_space<vmem_shared>>) offsets(%dma_start3A_80 : memref<128xi32, #tpu.memory_space<vmem>>) semaphore(%run_scoped3A : memref<!tpu.dma_semaphore, #tpu.memory_space<semaphore_mem>>) {add = true}
        %dma_wait3A_84 = arith.constant 0 : i32
        %dma_wait3A_85 = tpu.memref_slice %arg7[%add3A_47, %dma_wait3A_84] : memref<80x128xi32, #tpu.memory_space<vmem>> -> memref<1x128xi32, #tpu.memory_space<vmem>>
        %dma_wait3A_86 = tpu.memref_squeeze %dma_wait3A_85 : memref<1x128xi32, #tpu.memory_space<vmem>> -> memref<128xi32, #tpu.memory_space<vmem>>
        %dma_wait3A_87 = arith.constant 0 : i32
        %dma_wait3A_88 = arith.constant 0 : i32
        %dma_wait3A_89 = tpu.memref_slice %arg10[%dma_wait3A_87, %dma_wait3A_88] : memref<10240x16xf32, #tpu.memory_space<vmem_shared>> -> memref<10240x16xf32, #tpu.memory_space<vmem_shared>>
        tpu.wait_indirect_dma semaphore(%run_scoped3A : memref<!tpu.dma_semaphore, #tpu.memory_space<semaphore_mem>>) src(%arg8 : memref<128x16xf32, #tpu.memory_space<vmem>>) dst(%dma_wait3A_89 : memref<10240x16xf32, #tpu.memory_space<vmem_shared>>)
        tpu.yield
      }) : () -> ()
      %add3A_61 = arith.constant 1 : i32
      %add3A_62 = arith.addi %add3A_47, %add3A_61 : i32
      %dma_wait3A_63 = arith.constant 0 : i32
      %dma_wait3A_64 = tpu.memref_slice %arg6[%add3A_62, %dma_wait3A_63] : memref<80x128xi32, #tpu.memory_space<vmem>> -> memref<1x128xi32, #tpu.memory_space<vmem>>
      %dma_wait3A_65 = tpu.memref_squeeze %dma_wait3A_64 : memref<1x128xi32, #tpu.memory_space<vmem>> -> memref<128xi32, #tpu.memory_space<vmem>>
      %dma_wait3A_66 = arith.constant 0 : i32
      %dma_wait3A_67 = arith.constant 0 : i32
      %dma_wait3A_68 = tpu.memref_slice %arg2[%dma_wait3A_66, %dma_wait3A_67] : memref<10000x16xf32, #tpu.memory_space<hbm>> -> memref<10000x16xf32, #tpu.memory_space<hbm>>
      tpu.wait_indirect_dma semaphore(%arg11 : memref<!tpu.dma_semaphore, #tpu.memory_space<semaphore_mem>>) src(%dma_wait3A_68 : memref<10000x16xf32, #tpu.memory_space<hbm>>) dst(%arg9 : memref<128x16xf32, #tpu.memory_space<vmem>>)
      %add3A_69 = arith.constant 2 : i32
      %add3A_70 = arith.addi %add3A_47, %add3A_69 : i32
      %lt3A_71 = arith.constant 80 : i32
      %lt3A_72 = arith.cmpi slt, %add3A_70, %lt3A_71 : i32
      %convert_element_type3A_73 = arith.extui %lt3A_72 : i1 to i32
      %cond3A_74 = arith.constant 0 : i32
      %cond3A_75 = arith.cmpi ne, %convert_element_type3A_73, %cond3A_74 : i32
      scf.if %cond3A_75 {
        %add3A_78 = arith.constant 2 : i32
        %add3A_79 = arith.addi %add3A_47, %add3A_78 : i32
        %dma_start3A_80 = arith.constant 0 : i32
        %dma_start3A_81 = tpu.memref_slice %arg6[%add3A_79, %dma_start3A_80] : memref<80x128xi32, #tpu.memory_space<vmem>> -> memref<1x128xi32, #tpu.memory_space<vmem>>
        %dma_start3A_82 = tpu.memref_squeeze %dma_start3A_81 : memref<1x128xi32, #tpu.memory_space<vmem>> -> memref<128xi32, #tpu.memory_space<vmem>>
        %dma_start3A_83 = arith.constant 0 : i32
        %dma_start3A_84 = arith.constant 0 : i32
        %dma_start3A_85 = tpu.memref_slice %arg2[%dma_start3A_83, %dma_start3A_84] : memref<10000x16xf32, #tpu.memory_space<hbm>> -> memref<10000x16xf32, #tpu.memory_space<hbm>>
        tpu.enqueue_indirect_dma source(%dma_start3A_85 : memref<10000x16xf32, #tpu.memory_space<hbm>>) target(%arg8 : memref<128x16xf32, #tpu.memory_space<vmem>>) offsets(%dma_start3A_82 : memref<128xi32, #tpu.memory_space<vmem>>) semaphore(%arg11 : memref<!tpu.dma_semaphore, #tpu.memory_space<semaphore_mem>>)
      } else {
      }
      %add3A_76 = arith.constant 1 : i32
      %add3A_77 = arith.addi %add3A_47, %add3A_76 : i32
      "tpu.region"() ({
        %run_scoped3A = tpu.sem_alloc : memref<!tpu.dma_semaphore, #tpu.memory_space<semaphore_mem>>
        %dma_start3A_78 = arith.constant 0 : i32
        %dma_start3A_79 = tpu.memref_slice %arg7[%add3A_77, %dma_start3A_78] : memref<80x128xi32, #tpu.memory_space<vmem>> -> memref<1x128xi32, #tpu.memory_space<vmem>>
        %dma_start3A_80 = tpu.memref_squeeze %dma_start3A_79 : memref<1x128xi32, #tpu.memory_space<vmem>> -> memref<128xi32, #tpu.memory_space<vmem>>
        %dma_start3A_81 = arith.constant 0 : i32
        %dma_start3A_82 = arith.constant 0 : i32
        %dma_start3A_83 = tpu.memref_slice %arg10[%dma_start3A_81, %dma_start3A_82] : memref<10240x16xf32, #tpu.memory_space<vmem_shared>> -> memref<10240x16xf32, #tpu.memory_space<vmem_shared>>
        tpu.enqueue_indirect_dma source(%arg9 : memref<128x16xf32, #tpu.memory_space<vmem>>) target(%dma_start3A_83 : memref<10240x16xf32, #tpu.memory_space<vmem_shared>>) offsets(%dma_start3A_80 : memref<128xi32, #tpu.memory_space<vmem>>) semaphore(%run_scoped3A : memref<!tpu.dma_semaphore, #tpu.memory_space<semaphore_mem>>) {add = true}
        %dma_wait3A_84 = arith.constant 0 : i32
        %dma_wait3A_85 = tpu.memref_slice %arg7[%add3A_77, %dma_wait3A_84] : memref<80x128xi32, #tpu.memory_space<vmem>> -> memref<1x128xi32, #tpu.memory_space<vmem>>
        %dma_wait3A_86 = tpu.memref_squeeze %dma_wait3A_85 : memref<1x128xi32, #tpu.memory_space<vmem>> -> memref<128xi32, #tpu.memory_space<vmem>>
        %dma_wait3A_87 = arith.constant 0 : i32
        %dma_wait3A_88 = arith.constant 0 : i32
        %dma_wait3A_89 = tpu.memref_slice %arg10[%dma_wait3A_87, %dma_wait3A_88] : memref<10240x16xf32, #tpu.memory_space<vmem_shared>> -> memref<10240x16xf32, #tpu.memory_space<vmem_shared>>
        tpu.wait_indirect_dma semaphore(%run_scoped3A : memref<!tpu.dma_semaphore, #tpu.memory_space<semaphore_mem>>) src(%arg9 : memref<128x16xf32, #tpu.memory_space<vmem>>) dst(%dma_wait3A_89 : memref<10240x16xf32, #tpu.memory_space<vmem_shared>>)
        tpu.yield
      }) : () -> ()
    }
    %scan3A_35 = arith.constant 40 : i32
    %barrier3A_36 = arith.constant 0 : index
    tpu.barrier barrier_id(%barrier3A_36)
    %lt3A = arith.constant 15 : i32
    %lt3A_37 = arith.cmpi slt, %arg1, %lt3A : i32
    %convert_element_type3A = arith.extui %lt3A_37 : i1 to i32
    %cond3A = arith.constant 0 : i32
    %cond3A_38 = arith.cmpi ne, %convert_element_type3A, %cond3A : i32
    scf.if %cond3A_38 {
      %mul3A_43 = arith.constant 640 : i32
      %mul3A_44 = arith.muli %arg1, %mul3A_43 : i32
      %mul3A_45 = arith.constant 640 : i32
      %mul3A_46 = arith.muli %arg1, %mul3A_45 : i32
      "tpu.region"() ({
        %run_scoped3A = tpu.sem_alloc : memref<!tpu.dma_semaphore, #tpu.memory_space<semaphore_mem>>
        %dma_start3A_47 = arith.constant 0 : i32
        %dma_start3A_48 = tpu.memref_slice %arg5[%arg0, %mul3A_46, %dma_start3A_47] : memref<2x10000x16xf32, #tpu.memory_space<hbm>> -> memref<1x640x16xf32, #tpu.memory_space<hbm>>
        %dma_start3A_49 = tpu.memref_squeeze %dma_start3A_48 : memref<1x640x16xf32, #tpu.memory_space<hbm>> -> memref<640x16xf32, #tpu.memory_space<hbm>>
        %dma_start3A_50 = arith.constant 0 : i32
        %dma_start3A_51 = tpu.memref_slice %arg10[%mul3A_44, %dma_start3A_50] : memref<10240x16xf32, #tpu.memory_space<vmem_shared>> -> memref<640x16xf32, #tpu.memory_space<vmem_shared>>
        tpu.enqueue_dma source(%dma_start3A_51 : memref<640x16xf32, #tpu.memory_space<vmem_shared>>) target(%dma_start3A_49 : memref<640x16xf32, #tpu.memory_space<hbm>>) target_semaphore(%run_scoped3A : memref<!tpu.dma_semaphore, #tpu.memory_space<semaphore_mem>>)
        %dma_wait3A = arith.constant 0 : i32
        %dma_wait3A_52 = tpu.memref_slice %arg5[%arg0, %mul3A_46, %dma_wait3A] : memref<2x10000x16xf32, #tpu.memory_space<hbm>> -> memref<1x640x16xf32, #tpu.memory_space<hbm>>
        %dma_wait3A_53 = tpu.memref_squeeze %dma_wait3A_52 : memref<1x640x16xf32, #tpu.memory_space<hbm>> -> memref<640x16xf32, #tpu.memory_space<hbm>>
        %dma_wait3A_54 = arith.constant 0 : i32
        %dma_wait3A_55 = tpu.memref_slice %arg10[%mul3A_44, %dma_wait3A_54] : memref<10240x16xf32, #tpu.memory_space<vmem_shared>> -> memref<640x16xf32, #tpu.memory_space<vmem_shared>>
        tpu.wait_dma2 semaphore(%run_scoped3A : memref<!tpu.dma_semaphore, #tpu.memory_space<semaphore_mem>>) src(%dma_wait3A_55 : memref<640x16xf32, #tpu.memory_space<vmem_shared>>) dst(%dma_wait3A_53 : memref<640x16xf32, #tpu.memory_space<hbm>>)
        tpu.yield
      }) : () -> ()
    } else {
    }
    %eq3A = arith.constant 15 : i32
    %eq3A_39 = arith.cmpi eq, %arg1, %eq3A : i32
    %convert_element_type3A_40 = arith.extui %eq3A_39 : i1 to i32
    %cond3A_41 = arith.constant 0 : i32
    %cond3A_42 = arith.cmpi ne, %convert_element_type3A_40, %cond3A_41 : i32
    scf.if %cond3A_42 {
      "tpu.region"() ({
        %run_scoped3A = tpu.sem_alloc : memref<!tpu.dma_semaphore, #tpu.memory_space<semaphore_mem>>
        %dma_start3A_43 = arith.constant 9600 : i32
        %dma_start3A_44 = arith.constant 0 : i32
        %dma_start3A_45 = tpu.memref_slice %arg5[%arg0, %dma_start3A_43, %dma_start3A_44] : memref<2x10000x16xf32, #tpu.memory_space<hbm>> -> memref<1x400x16xf32, #tpu.memory_space<hbm>>
        %dma_start3A_46 = tpu.memref_squeeze %dma_start3A_45 : memref<1x400x16xf32, #tpu.memory_space<hbm>> -> memref<400x16xf32, #tpu.memory_space<hbm>>
        %dma_start3A_47 = arith.constant 9600 : i32
        %dma_start3A_48 = arith.constant 0 : i32
        %dma_start3A_49 = tpu.memref_slice %arg10[%dma_start3A_47, %dma_start3A_48] : memref<10240x16xf32, #tpu.memory_space<vmem_shared>> -> memref<400x16xf32, #tpu.memory_space<vmem_shared>>
        tpu.enqueue_dma source(%dma_start3A_49 : memref<400x16xf32, #tpu.memory_space<vmem_shared>>) target(%dma_start3A_46 : memref<400x16xf32, #tpu.memory_space<hbm>>) target_semaphore(%run_scoped3A : memref<!tpu.dma_semaphore, #tpu.memory_space<semaphore_mem>>)
        %dma_wait3A = arith.constant 9600 : i32
        %dma_wait3A_50 = arith.constant 0 : i32
        %dma_wait3A_51 = tpu.memref_slice %arg5[%arg0, %dma_wait3A, %dma_wait3A_50] : memref<2x10000x16xf32, #tpu.memory_space<hbm>> -> memref<1x400x16xf32, #tpu.memory_space<hbm>>
        %dma_wait3A_52 = tpu.memref_squeeze %dma_wait3A_51 : memref<1x400x16xf32, #tpu.memory_space<hbm>> -> memref<400x16xf32, #tpu.memory_space<hbm>>
        %dma_wait3A_53 = arith.constant 9600 : i32
        %dma_wait3A_54 = arith.constant 0 : i32
        %dma_wait3A_55 = tpu.memref_slice %arg10[%dma_wait3A_53, %dma_wait3A_54] : memref<10240x16xf32, #tpu.memory_space<vmem_shared>> -> memref<400x16xf32, #tpu.memory_space<vmem_shared>>
        tpu.wait_dma2 semaphore(%run_scoped3A : memref<!tpu.dma_semaphore, #tpu.memory_space<semaphore_mem>>) src(%dma_wait3A_55 : memref<400x16xf32, #tpu.memory_space<vmem_shared>>) dst(%dma_wait3A_52 : memref<400x16xf32, #tpu.memory_space<hbm>>)
        tpu.yield
      }) : () -> ()
    } else {
    }
    return
  }
}

#map = affine_map<(d0, d1) -> (0, 0, 0)>
module attributes {stable_mosaic.version = 14 : i64} {
  func.func @deg_kernel(%arg0: i32, %arg1: i32, %arg2: memref<32x80x128xi32, #tpu.memory_space<hbm>>, %arg3: memref<2x10000x16xf32, #tpu.memory_space<hbm>>, %arg4: memref<80x128xi32, #tpu.memory_space<vmem>>, %arg5: memref<128x16xf32, #tpu.memory_space<vmem>>, %arg6: memref<10240x16xf32, #tpu.memory_space<vmem_shared>>) attributes {dimension_semantics = [#tpu.dimension_semantics<core_parallel>, #tpu.dimension_semantics<subcore_parallel>], iteration_bounds = array<i64: 2, 16>, scalar_prefetch = 0 : i64, scratch_operands = 3 : i64, tpu.core_type = #tpu.core_type<sc_vector_subcore>, window_params = [{transform_indices = #map}, {transform_indices = #map}]} {
    %mul3A = arith.constant 2 : i32
    %mul3A_0 = arith.muli %arg1, %mul3A : i32
    %add3A = arith.addi %mul3A_0, %arg0 : i32
    %scan3A = arith.constant 0 : i32
    %scan3A_1 = arith.constant 128 : i32
    %scan3A_2 = arith.addi %scan3A, %scan3A_1 : i32
    %scan3A_3 = arith.constant 1 : i32
    scf.for %scan3A_42 = %scan3A to %scan3A_2 step %scan3A_3  : i32 {
      %mul3A_43 = arith.constant 1 : i32
      %mul3A_44 = arith.muli %scan3A_42, %mul3A_43 : i32
      %add3A_45 = arith.constant 0 : i32
      %add3A_46 = arith.addi %add3A_45, %mul3A_44 : i32
      %broadcast_in_dim3A = arith.constant 0.000000e+00 : f32
      %broadcast_in_dim3A_47 = vector.broadcast %broadcast_in_dim3A : f32 to vector<16xf32>
      %swap3A = arith.index_cast %add3A_46 : i32 to index
      %swap3A_48 = arith.constant 0 : index
      %swap3A_49 = tpu.vector_load %arg5[%swap3A, %swap3A_48] {strides = array<i32>} : memref<128x16xf32, #tpu.memory_space<vmem>>, vector<1x16xf32>,
      %swap3A_50 = vector.shape_cast %swap3A_49 : vector<1x16xf32> to vector<16xf32>
      %swap3A_51 = vector.shape_cast %broadcast_in_dim3A_47 : vector<16xf32> to vector<1x16xf32>
      tpu.vector_store %arg5[%swap3A, %swap3A_48], %swap3A_51 {strides = array<i32>} : memref<128x16xf32, #tpu.memory_space<vmem>>, vector<1x16xf32>,
    }
    %scan3A_4 = arith.constant 128 : i32
    %mul3A_5 = arith.constant 640 : i32
    %mul3A_6 = arith.muli %arg1, %mul3A_5 : i32
    %add3A_7 = arith.constant 0 : i32
    %add3A_8 = arith.addi %mul3A_6, %add3A_7 : i32
    "tpu.region"() ({
      %run_scoped3A = tpu.sem_alloc : memref<!tpu.dma_semaphore, #tpu.memory_space<semaphore_mem>>
      %dma_start3A = arith.constant 0 : i32
      %dma_start3A_42 = tpu.memref_slice %arg6[%add3A_8, %dma_start3A] : memref<10240x16xf32, #tpu.memory_space<vmem_shared>> -> memref<128x16xf32, #tpu.memory_space<vmem_shared>>
      %dma_start3A_43 = arith.constant 0 : i32
      %dma_start3A_44 = tpu.memref_slice %arg6[%add3A_8, %dma_start3A_43] : memref<10240x16xf32, #tpu.memory_space<vmem_shared>> -> memref<128x16xf32, #tpu.memory_space<vmem_shared>>
      tpu.enqueue_dma source(%arg5 : memref<128x16xf32, #tpu.memory_space<vmem>>) target(%dma_start3A_44 : memref<128x16xf32, #tpu.memory_space<vmem_shared>>) target_semaphore(%run_scoped3A : memref<!tpu.dma_semaphore, #tpu.memory_space<semaphore_mem>>)
      %dma_wait3A = arith.constant 0 : i32
      %dma_wait3A_45 = tpu.memref_slice %arg6[%add3A_8, %dma_wait3A] : memref<10240x16xf32, #tpu.memory_space<vmem_shared>> -> memref<128x16xf32, #tpu.memory_space<vmem_shared>>
      %dma_wait3A_46 = arith.constant 0 : i32
      %dma_wait3A_47 = tpu.memref_slice %arg6[%add3A_8, %dma_wait3A_46] : memref<10240x16xf32, #tpu.memory_space<vmem_shared>> -> memref<128x16xf32, #tpu.memory_space<vmem_shared>>
      tpu.wait_dma2 semaphore(%run_scoped3A : memref<!tpu.dma_semaphore, #tpu.memory_space<semaphore_mem>>) src(%arg5 : memref<128x16xf32, #tpu.memory_space<vmem>>) dst(%dma_wait3A_47 : memref<128x16xf32, #tpu.memory_space<vmem_shared>>)
      tpu.yield
    }) : () -> ()
    %mul3A_9 = arith.constant 640 : i32
    %mul3A_10 = arith.muli %arg1, %mul3A_9 : i32
    %add3A_11 = arith.constant 128 : i32
    %add3A_12 = arith.addi %mul3A_10, %add3A_11 : i32
    "tpu.region"() ({
      %run_scoped3A = tpu.sem_alloc : memref<!tpu.dma_semaphore, #tpu.memory_space<semaphore_mem>>
      %dma_start3A = arith.constant 0 : i32
      %dma_start3A_42 = tpu.memref_slice %arg6[%add3A_12, %dma_start3A] : memref<10240x16xf32, #tpu.memory_space<vmem_shared>> -> memref<128x16xf32, #tpu.memory_space<vmem_shared>>
      %dma_start3A_43 = arith.constant 0 : i32
      %dma_start3A_44 = tpu.memref_slice %arg6[%add3A_12, %dma_start3A_43] : memref<10240x16xf32, #tpu.memory_space<vmem_shared>> -> memref<128x16xf32, #tpu.memory_space<vmem_shared>>
      tpu.enqueue_dma source(%arg5 : memref<128x16xf32, #tpu.memory_space<vmem>>) target(%dma_start3A_44 : memref<128x16xf32, #tpu.memory_space<vmem_shared>>) target_semaphore(%run_scoped3A : memref<!tpu.dma_semaphore, #tpu.memory_space<semaphore_mem>>)
      %dma_wait3A = arith.constant 0 : i32
      %dma_wait3A_45 = tpu.memref_slice %arg6[%add3A_12, %dma_wait3A] : memref<10240x16xf32, #tpu.memory_space<vmem_shared>> -> memref<128x16xf32, #tpu.memory_space<vmem_shared>>
      %dma_wait3A_46 = arith.constant 0 : i32
      %dma_wait3A_47 = tpu.memref_slice %arg6[%add3A_12, %dma_wait3A_46] : memref<10240x16xf32, #tpu.memory_space<vmem_shared>> -> memref<128x16xf32, #tpu.memory_space<vmem_shared>>
      tpu.wait_dma2 semaphore(%run_scoped3A : memref<!tpu.dma_semaphore, #tpu.memory_space<semaphore_mem>>) src(%arg5 : memref<128x16xf32, #tpu.memory_space<vmem>>) dst(%dma_wait3A_47 : memref<128x16xf32, #tpu.memory_space<vmem_shared>>)
      tpu.yield
    }) : () -> ()
    %mul3A_13 = arith.constant 640 : i32
    %mul3A_14 = arith.muli %arg1, %mul3A_13 : i32
    %add3A_15 = arith.constant 256 : i32
    %add3A_16 = arith.addi %mul3A_14, %add3A_15 : i32
    "tpu.region"() ({
      %run_scoped3A = tpu.sem_alloc : memref<!tpu.dma_semaphore, #tpu.memory_space<semaphore_mem>>
      %dma_start3A = arith.constant 0 : i32
      %dma_start3A_42 = tpu.memref_slice %arg6[%add3A_16, %dma_start3A] : memref<10240x16xf32, #tpu.memory_space<vmem_shared>> -> memref<128x16xf32, #tpu.memory_space<vmem_shared>>
      %dma_start3A_43 = arith.constant 0 : i32
      %dma_start3A_44 = tpu.memref_slice %arg6[%add3A_16, %dma_start3A_43] : memref<10240x16xf32, #tpu.memory_space<vmem_shared>> -> memref<128x16xf32, #tpu.memory_space<vmem_shared>>
      tpu.enqueue_dma source(%arg5 : memref<128x16xf32, #tpu.memory_space<vmem>>) target(%dma_start3A_44 : memref<128x16xf32, #tpu.memory_space<vmem_shared>>) target_semaphore(%run_scoped3A : memref<!tpu.dma_semaphore, #tpu.memory_space<semaphore_mem>>)
      %dma_wait3A = arith.constant 0 : i32
      %dma_wait3A_45 = tpu.memref_slice %arg6[%add3A_16, %dma_wait3A] : memref<10240x16xf32, #tpu.memory_space<vmem_shared>> -> memref<128x16xf32, #tpu.memory_space<vmem_shared>>
      %dma_wait3A_46 = arith.constant 0 : i32
      %dma_wait3A_47 = tpu.memref_slice %arg6[%add3A_16, %dma_wait3A_46] : memref<10240x16xf32, #tpu.memory_space<vmem_shared>> -> memref<128x16xf32, #tpu.memory_space<vmem_shared>>
      tpu.wait_dma2 semaphore(%run_scoped3A : memref<!tpu.dma_semaphore, #tpu.memory_space<semaphore_mem>>) src(%arg5 : memref<128x16xf32, #tpu.memory_space<vmem>>) dst(%dma_wait3A_47 : memref<128x16xf32, #tpu.memory_space<vmem_shared>>)
      tpu.yield
    }) : () -> ()
    %mul3A_17 = arith.constant 640 : i32
    %mul3A_18 = arith.muli %arg1, %mul3A_17 : i32
    %add3A_19 = arith.constant 384 : i32
    %add3A_20 = arith.addi %mul3A_18, %add3A_19 : i32
    "tpu.region"() ({
      %run_scoped3A = tpu.sem_alloc : memref<!tpu.dma_semaphore, #tpu.memory_space<semaphore_mem>>
      %dma_start3A = arith.constant 0 : i32
      %dma_start3A_42 = tpu.memref_slice %arg6[%add3A_20, %dma_start3A] : memref<10240x16xf32, #tpu.memory_space<vmem_shared>> -> memref<128x16xf32, #tpu.memory_space<vmem_shared>>
      %dma_start3A_43 = arith.constant 0 : i32
      %dma_start3A_44 = tpu.memref_slice %arg6[%add3A_20, %dma_start3A_43] : memref<10240x16xf32, #tpu.memory_space<vmem_shared>> -> memref<128x16xf32, #tpu.memory_space<vmem_shared>>
      tpu.enqueue_dma source(%arg5 : memref<128x16xf32, #tpu.memory_space<vmem>>) target(%dma_start3A_44 : memref<128x16xf32, #tpu.memory_space<vmem_shared>>) target_semaphore(%run_scoped3A : memref<!tpu.dma_semaphore, #tpu.memory_space<semaphore_mem>>)
      %dma_wait3A = arith.constant 0 : i32
      %dma_wait3A_45 = tpu.memref_slice %arg6[%add3A_20, %dma_wait3A] : memref<10240x16xf32, #tpu.memory_space<vmem_shared>> -> memref<128x16xf32, #tpu.memory_space<vmem_shared>>
      %dma_wait3A_46 = arith.constant 0 : i32
      %dma_wait3A_47 = tpu.memref_slice %arg6[%add3A_20, %dma_wait3A_46] : memref<10240x16xf32, #tpu.memory_space<vmem_shared>> -> memref<128x16xf32, #tpu.memory_space<vmem_shared>>
      tpu.wait_dma2 semaphore(%run_scoped3A : memref<!tpu.dma_semaphore, #tpu.memory_space<semaphore_mem>>) src(%arg5 : memref<128x16xf32, #tpu.memory_space<vmem>>) dst(%dma_wait3A_47 : memref<128x16xf32, #tpu.memory_space<vmem_shared>>)
      tpu.yield
    }) : () -> ()
    %mul3A_21 = arith.constant 640 : i32
    %mul3A_22 = arith.muli %arg1, %mul3A_21 : i32
    %add3A_23 = arith.constant 512 : i32
    %add3A_24 = arith.addi %mul3A_22, %add3A_23 : i32
    "tpu.region"() ({
      %run_scoped3A = tpu.sem_alloc : memref<!tpu.dma_semaphore, #tpu.memory_space<semaphore_mem>>
      %dma_start3A = arith.constant 0 : i32
      %dma_start3A_42 = tpu.memref_slice %arg6[%add3A_24, %dma_start3A] : memref<10240x16xf32, #tpu.memory_space<vmem_shared>> -> memref<128x16xf32, #tpu.memory_space<vmem_shared>>
      %dma_start3A_43 = arith.constant 0 : i32
      %dma_start3A_44 = tpu.memref_slice %arg6[%add3A_24, %dma_start3A_43] : memref<10240x16xf32, #tpu.memory_space<vmem_shared>> -> memref<128x16xf32, #tpu.memory_space<vmem_shared>>
      tpu.enqueue_dma source(%arg5 : memref<128x16xf32, #tpu.memory_space<vmem>>) target(%dma_start3A_44 : memref<128x16xf32, #tpu.memory_space<vmem_shared>>) target_semaphore(%run_scoped3A : memref<!tpu.dma_semaphore, #tpu.memory_space<semaphore_mem>>)
      %dma_wait3A = arith.constant 0 : i32
      %dma_wait3A_45 = tpu.memref_slice %arg6[%add3A_24, %dma_wait3A] : memref<10240x16xf32, #tpu.memory_space<vmem_shared>> -> memref<128x16xf32, #tpu.memory_space<vmem_shared>>
      %dma_wait3A_46 = arith.constant 0 : i32
      %dma_wait3A_47 = tpu.memref_slice %arg6[%add3A_24, %dma_wait3A_46] : memref<10240x16xf32, #tpu.memory_space<vmem_shared>> -> memref<128x16xf32, #tpu.memory_space<vmem_shared>>
      tpu.wait_dma2 semaphore(%run_scoped3A : memref<!tpu.dma_semaphore, #tpu.memory_space<semaphore_mem>>) src(%arg5 : memref<128x16xf32, #tpu.memory_space<vmem>>) dst(%dma_wait3A_47 : memref<128x16xf32, #tpu.memory_space<vmem_shared>>)
      tpu.yield
    }) : () -> ()
    "tpu.region"() ({
      %run_scoped3A = tpu.sem_alloc : memref<!tpu.dma_semaphore, #tpu.memory_space<semaphore_mem>>
      %dma_start3A = arith.constant 0 : i32
      %dma_start3A_42 = arith.constant 0 : i32
      %dma_start3A_43 = tpu.memref_slice %arg2[%add3A, %dma_start3A, %dma_start3A_42] : memref<32x80x128xi32, #tpu.memory_space<hbm>> -> memref<1x80x128xi32, #tpu.memory_space<hbm>>
      %dma_start3A_44 = tpu.memref_squeeze %dma_start3A_43 : memref<1x80x128xi32, #tpu.memory_space<hbm>> -> memref<80x128xi32, #tpu.memory_space<hbm>>
      %dma_start3A_45 = arith.constant 0 : i32
      %dma_start3A_46 = arith.constant 0 : i32
      %dma_start3A_47 = tpu.memref_slice %arg2[%add3A, %dma_start3A_45, %dma_start3A_46] : memref<32x80x128xi32, #tpu.memory_space<hbm>> -> memref<1x80x128xi32, #tpu.memory_space<hbm>>
      %dma_start3A_48 = tpu.memref_squeeze %dma_start3A_47 : memref<1x80x128xi32, #tpu.memory_space<hbm>> -> memref<80x128xi32, #tpu.memory_space<hbm>>
      tpu.enqueue_dma source(%dma_start3A_48 : memref<80x128xi32, #tpu.memory_space<hbm>>) target(%arg4 : memref<80x128xi32, #tpu.memory_space<vmem>>) target_semaphore(%run_scoped3A : memref<!tpu.dma_semaphore, #tpu.memory_space<semaphore_mem>>)
      %dma_wait3A = arith.constant 0 : i32
      %dma_wait3A_49 = arith.constant 0 : i32
      %dma_wait3A_50 = tpu.memref_slice %arg2[%add3A, %dma_wait3A, %dma_wait3A_49] : memref<32x80x128xi32, #tpu.memory_space<hbm>> -> memref<1x80x128xi32, #tpu.memory_space<hbm>>
      %dma_wait3A_51 = tpu.memref_squeeze %dma_wait3A_50 : memref<1x80x128xi32, #tpu.memory_space<hbm>> -> memref<80x128xi32, #tpu.memory_space<hbm>>
      %dma_wait3A_52 = arith.constant 0 : i32
      %dma_wait3A_53 = arith.constant 0 : i32
      %dma_wait3A_54 = tpu.memref_slice %arg2[%add3A, %dma_wait3A_52, %dma_wait3A_53] : memref<32x80x128xi32, #tpu.memory_space<hbm>> -> memref<1x80x128xi32, #tpu.memory_space<hbm>>
      %dma_wait3A_55 = tpu.memref_squeeze %dma_wait3A_54 : memref<1x80x128xi32, #tpu.memory_space<hbm>> -> memref<80x128xi32, #tpu.memory_space<hbm>>
      tpu.wait_dma2 semaphore(%run_scoped3A : memref<!tpu.dma_semaphore, #tpu.memory_space<semaphore_mem>>) src(%dma_wait3A_55 : memref<80x128xi32, #tpu.memory_space<hbm>>) dst(%arg4 : memref<80x128xi32, #tpu.memory_space<vmem>>)
      tpu.yield
    }) : () -> ()
    %scan3A_25 = arith.constant 0 : i32
    %scan3A_26 = arith.constant 128 : i32
    %scan3A_27 = arith.addi %scan3A_25, %scan3A_26 : i32
    %scan3A_28 = arith.constant 1 : i32
    scf.for %scan3A_42 = %scan3A_25 to %scan3A_27 step %scan3A_28  : i32 {
      %mul3A_43 = arith.constant 1 : i32
      %mul3A_44 = arith.muli %scan3A_42, %mul3A_43 : i32
      %add3A_45 = arith.constant 0 : i32
      %add3A_46 = arith.addi %add3A_45, %mul3A_44 : i32
      %broadcast_in_dim3A = arith.constant 1.000000e+00 : f32
      %broadcast_in_dim3A_47 = vector.broadcast %broadcast_in_dim3A : f32 to vector<16xf32>
      %swap3A = arith.index_cast %add3A_46 : i32 to index
      %swap3A_48 = arith.constant 0 : index
      %swap3A_49 = tpu.vector_load %arg5[%swap3A, %swap3A_48] {strides = array<i32>} : memref<128x16xf32, #tpu.memory_space<vmem>>, vector<1x16xf32>,
      %swap3A_50 = vector.shape_cast %swap3A_49 : vector<1x16xf32> to vector<16xf32>
      %swap3A_51 = vector.shape_cast %broadcast_in_dim3A_47 : vector<16xf32> to vector<1x16xf32>
      tpu.vector_store %arg5[%swap3A, %swap3A_48], %swap3A_51 {strides = array<i32>} : memref<128x16xf32, #tpu.memory_space<vmem>>, vector<1x16xf32>,
    }
    %scan3A_29 = arith.constant 128 : i32
    %barrier3A = arith.constant 0 : index
    tpu.barrier barrier_id(%barrier3A)
    %scan3A_30 = arith.constant 0 : i32
    %scan3A_31 = arith.constant 80 : i32
    %scan3A_32 = arith.addi %scan3A_30, %scan3A_31 : i32
    %scan3A_33 = arith.constant 1 : i32
    scf.for %scan3A_42 = %scan3A_30 to %scan3A_32 step %scan3A_33  : i32 {
      %mul3A_43 = arith.constant 1 : i32
      %mul3A_44 = arith.muli %scan3A_42, %mul3A_43 : i32
      %add3A_45 = arith.constant 0 : i32
      %add3A_46 = arith.addi %add3A_45, %mul3A_44 : i32
      "tpu.region"() ({
        %run_scoped3A = tpu.sem_alloc : memref<!tpu.dma_semaphore, #tpu.memory_space<semaphore_mem>>
        %dma_start3A = arith.constant 0 : i32
        %dma_start3A_47 = tpu.memref_slice %arg4[%add3A_46, %dma_start3A] : memref<80x128xi32, #tpu.memory_space<vmem>> -> memref<1x128xi32, #tpu.memory_space<vmem>>
        %dma_start3A_48 = tpu.memref_squeeze %dma_start3A_47 : memref<1x128xi32, #tpu.memory_space<vmem>> -> memref<128xi32, #tpu.memory_space<vmem>>
        %dma_start3A_49 = arith.constant 0 : i32
        %dma_start3A_50 = arith.constant 0 : i32
        %dma_start3A_51 = tpu.memref_slice %arg6[%dma_start3A_49, %dma_start3A_50] : memref<10240x16xf32, #tpu.memory_space<vmem_shared>> -> memref<10240x16xf32, #tpu.memory_space<vmem_shared>>
        tpu.enqueue_indirect_dma source(%arg5 : memref<128x16xf32, #tpu.memory_space<vmem>>) target(%dma_start3A_51 : memref<10240x16xf32, #tpu.memory_space<vmem_shared>>) offsets(%dma_start3A_48 : memref<128xi32, #tpu.memory_space<vmem>>) semaphore(%run_scoped3A : memref<!tpu.dma_semaphore, #tpu.memory_space<semaphore_mem>>) {add = true}
        %dma_wait3A = arith.constant 0 : i32
        %dma_wait3A_52 = tpu.memref_slice %arg4[%add3A_46, %dma_wait3A] : memref<80x128xi32, #tpu.memory_space<vmem>> -> memref<1x128xi32, #tpu.memory_space<vmem>>
        %dma_wait3A_53 = tpu.memref_squeeze %dma_wait3A_52 : memref<1x128xi32, #tpu.memory_space<vmem>> -> memref<128xi32, #tpu.memory_space<vmem>>
        %dma_wait3A_54 = arith.constant 0 : i32
        %dma_wait3A_55 = arith.constant 0 : i32
        %dma_wait3A_56 = tpu.memref_slice %arg6[%dma_wait3A_54, %dma_wait3A_55] : memref<10240x16xf32, #tpu.memory_space<vmem_shared>> -> memref<10240x16xf32, #tpu.memory_space<vmem_shared>>
        tpu.wait_indirect_dma semaphore(%run_scoped3A : memref<!tpu.dma_semaphore, #tpu.memory_space<semaphore_mem>>) src(%arg5 : memref<128x16xf32, #tpu.memory_space<vmem>>) dst(%dma_wait3A_56 : memref<10240x16xf32, #tpu.memory_space<vmem_shared>>)
        tpu.yield
      }) : () -> ()
    }
    %scan3A_34 = arith.constant 80 : i32
    %barrier3A_35 = arith.constant 0 : index
    tpu.barrier barrier_id(%barrier3A_35)
    %lt3A = arith.constant 15 : i32
    %lt3A_36 = arith.cmpi slt, %arg1, %lt3A : i32
    %convert_element_type3A = arith.extui %lt3A_36 : i1 to i32
    %cond3A = arith.constant 0 : i32
    %cond3A_37 = arith.cmpi ne, %convert_element_type3A, %cond3A : i32
    scf.if %cond3A_37 {
      %mul3A_42 = arith.constant 640 : i32
      %mul3A_43 = arith.muli %arg1, %mul3A_42 : i32
      %mul3A_44 = arith.constant 640 : i32
      %mul3A_45 = arith.muli %arg1, %mul3A_44 : i32
      "tpu.region"() ({
        %run_scoped3A = tpu.sem_alloc : memref<!tpu.dma_semaphore, #tpu.memory_space<semaphore_mem>>
        %dma_start3A = arith.constant 0 : i32
        %dma_start3A_46 = tpu.memref_slice %arg3[%arg0, %mul3A_45, %dma_start3A] : memref<2x10000x16xf32, #tpu.memory_space<hbm>> -> memref<1x640x16xf32, #tpu.memory_space<hbm>>
        %dma_start3A_47 = tpu.memref_squeeze %dma_start3A_46 : memref<1x640x16xf32, #tpu.memory_space<hbm>> -> memref<640x16xf32, #tpu.memory_space<hbm>>
        %dma_start3A_48 = arith.constant 0 : i32
        %dma_start3A_49 = tpu.memref_slice %arg6[%mul3A_43, %dma_start3A_48] : memref<10240x16xf32, #tpu.memory_space<vmem_shared>> -> memref<640x16xf32, #tpu.memory_space<vmem_shared>>
        tpu.enqueue_dma source(%dma_start3A_49 : memref<640x16xf32, #tpu.memory_space<vmem_shared>>) target(%dma_start3A_47 : memref<640x16xf32, #tpu.memory_space<hbm>>) target_semaphore(%run_scoped3A : memref<!tpu.dma_semaphore, #tpu.memory_space<semaphore_mem>>)
        %dma_wait3A = arith.constant 0 : i32
        %dma_wait3A_50 = tpu.memref_slice %arg3[%arg0, %mul3A_45, %dma_wait3A] : memref<2x10000x16xf32, #tpu.memory_space<hbm>> -> memref<1x640x16xf32, #tpu.memory_space<hbm>>
        %dma_wait3A_51 = tpu.memref_squeeze %dma_wait3A_50 : memref<1x640x16xf32, #tpu.memory_space<hbm>> -> memref<640x16xf32, #tpu.memory_space<hbm>>
        %dma_wait3A_52 = arith.constant 0 : i32
        %dma_wait3A_53 = tpu.memref_slice %arg6[%mul3A_43, %dma_wait3A_52] : memref<10240x16xf32, #tpu.memory_space<vmem_shared>> -> memref<640x16xf32, #tpu.memory_space<vmem_shared>>
        tpu.wait_dma2 semaphore(%run_scoped3A : memref<!tpu.dma_semaphore, #tpu.memory_space<semaphore_mem>>) src(%dma_wait3A_53 : memref<640x16xf32, #tpu.memory_space<vmem_shared>>) dst(%dma_wait3A_51 : memref<640x16xf32, #tpu.memory_space<hbm>>)
        tpu.yield
      }) : () -> ()
    } else {
    }
    %eq3A = arith.constant 15 : i32
    %eq3A_38 = arith.cmpi eq, %arg1, %eq3A : i32
    %convert_element_type3A_39 = arith.extui %eq3A_38 : i1 to i32
    %cond3A_40 = arith.constant 0 : i32
    %cond3A_41 = arith.cmpi ne, %convert_element_type3A_39, %cond3A_40 : i32
    scf.if %cond3A_41 {
      "tpu.region"() ({
        %run_scoped3A = tpu.sem_alloc : memref<!tpu.dma_semaphore, #tpu.memory_space<semaphore_mem>>
        %dma_start3A = arith.constant 9600 : i32
        %dma_start3A_42 = arith.constant 0 : i32
        %dma_start3A_43 = tpu.memref_slice %arg3[%arg0, %dma_start3A, %dma_start3A_42] : memref<2x10000x16xf32, #tpu.memory_space<hbm>> -> memref<1x400x16xf32, #tpu.memory_space<hbm>>
        %dma_start3A_44 = tpu.memref_squeeze %dma_start3A_43 : memref<1x400x16xf32, #tpu.memory_space<hbm>> -> memref<400x16xf32, #tpu.memory_space<hbm>>
        %dma_start3A_45 = arith.constant 9600 : i32
        %dma_start3A_46 = arith.constant 0 : i32
        %dma_start3A_47 = tpu.memref_slice %arg6[%dma_start3A_45, %dma_start3A_46] : memref<10240x16xf32, #tpu.memory_space<vmem_shared>> -> memref<400x16xf32, #tpu.memory_space<vmem_shared>>
        tpu.enqueue_dma source(%dma_start3A_47 : memref<400x16xf32, #tpu.memory_space<vmem_shared>>) target(%dma_start3A_44 : memref<400x16xf32, #tpu.memory_space<hbm>>) target_semaphore(%run_scoped3A : memref<!tpu.dma_semaphore, #tpu.memory_space<semaphore_mem>>)
        %dma_wait3A = arith.constant 9600 : i32
        %dma_wait3A_48 = arith.constant 0 : i32
        %dma_wait3A_49 = tpu.memref_slice %arg3[%arg0, %dma_wait3A, %dma_wait3A_48] : memref<2x10000x16xf32, #tpu.memory_space<hbm>> -> memref<1x400x16xf32, #tpu.memory_space<hbm>>
        %dma_wait3A_50 = tpu.memref_squeeze %dma_wait3A_49 : memref<1x400x16xf32, #tpu.memory_space<hbm>> -> memref<400x16xf32, #tpu.memory_space<hbm>>
        %dma_wait3A_51 = arith.constant 9600 : i32
        %dma_wait3A_52 = arith.constant 0 : i32
        %dma_wait3A_53 = tpu.memref_slice %arg6[%dma_wait3A_51, %dma_wait3A_52] : memref<10240x16xf32, #tpu.memory_space<vmem_shared>> -> memref<400x16xf32, #tpu.memory_space<vmem_shared>>
        tpu.wait_dma2 semaphore(%run_scoped3A : memref<!tpu.dma_semaphore, #tpu.memory_space<semaphore_mem>>) src(%dma_wait3A_53 : memref<400x16xf32, #tpu.memory_space<vmem_shared>>) dst(%dma_wait3A_50 : memref<400x16xf32, #tpu.memory_space<hbm>>)
        tpu.yield
      }) : () -> ()
    } else {
    }
    return
  }
}

#map = affine_map<(d0, d1) -> (0, 0)>
#map1 = affine_map<(d0, d1) -> (0, 0, 0)>
module attributes {stable_mosaic.version = 14 : i64} {
  func.func @agg_kernel(%arg0: i32, %arg1: i32, %arg2: memref<10000x128xf32, #tpu.memory_space<hbm>>, %arg3: memref<32x80x128xi32, #tpu.memory_space<hbm>>, %arg4: memref<32x80x128xi32, #tpu.memory_space<hbm>>, %arg5: memref<2x10000x128xf32, #tpu.memory_space<hbm>>, %arg6: memref<80x128xi32, #tpu.memory_space<vmem>>, %arg7: memref<80x128xi32, #tpu.memory_space<vmem>>, %arg8: memref<128x128xf32, #tpu.memory_space<vmem>>, %arg9: memref<128x16xf32, #tpu.memory_space<vmem>>, %arg10: memref<10240x128xf32, #tpu.memory_space<vmem_shared>>, %arg11: memref<!tpu.dma_semaphore, #tpu.memory_space<semaphore_mem>>) attributes {dimension_semantics = [#tpu.dimension_semantics<core_parallel>, #tpu.dimension_semantics<subcore_parallel>], iteration_bounds = array<i64: 2, 16>, scalar_prefetch = 0 : i64, scratch_operands = 6 : i64, tpu.core_type = #tpu.core_type<sc_vector_subcore>, window_params = [{transform_indices = #map}, {transform_indices = #map1}, {transform_indices = #map1}, {transform_indices = #map1}]} {
    %mul3A = arith.constant 2 : i32
    %mul3A_0 = arith.muli %arg1, %mul3A : i32
    %add3A = arith.addi %mul3A_0, %arg0 : i32
    %scan3A = arith.constant 0 : i32
    %scan3A_1 = arith.constant 128 : i32
    %scan3A_2 = arith.addi %scan3A, %scan3A_1 : i32
    %scan3A_3 = arith.constant 1 : i32
    scf.for %scan3A_37 = %scan3A to %scan3A_2 step %scan3A_3  : i32 {
      %mul3A_38 = arith.constant 1 : i32
      %mul3A_39 = arith.muli %scan3A_37, %mul3A_38 : i32
      %add3A_40 = arith.constant 0 : i32
      %add3A_41 = arith.addi %add3A_40, %mul3A_39 : i32
      %broadcast_in_dim3A = arith.constant 0.000000e+00 : f32
      %broadcast_in_dim3A_42 = vector.broadcast %broadcast_in_dim3A : f32 to vector<16xf32>
      %swap3A = arith.index_cast %add3A_41 : i32 to index
      %swap3A_43 = arith.constant 0 : index
      %swap3A_44 = tpu.vector_load %arg8[%swap3A, %swap3A_43] {strides = array<i32>} : memref<128x128xf32, #tpu.memory_space<vmem>>, vector<1x16xf32>,
      %swap3A_45 = vector.shape_cast %swap3A_44 : vector<1x16xf32> to vector<16xf32>
      %swap3A_46 = vector.shape_cast %broadcast_in_dim3A_42 : vector<16xf32> to vector<1x16xf32>
      tpu.vector_store %arg8[%swap3A, %swap3A_43], %swap3A_46 {strides = array<i32>} : memref<128x128xf32, #tpu.memory_space<vmem>>, vector<1x16xf32>,
      %broadcast_in_dim3A_47 = arith.constant 0.000000e+00 : f32
      %broadcast_in_dim3A_48 = vector.broadcast %broadcast_in_dim3A_47 : f32 to vector<16xf32>
      %swap3A_49 = arith.index_cast %add3A_41 : i32 to index
      %swap3A_50 = arith.constant 16 : index
      %swap3A_51 = tpu.vector_load %arg8[%swap3A_49, %swap3A_50] {strides = array<i32>} : memref<128x128xf32, #tpu.memory_space<vmem>>, vector<1x16xf32>,
      %swap3A_52 = vector.shape_cast %swap3A_51 : vector<1x16xf32> to vector<16xf32>
      %swap3A_53 = vector.shape_cast %broadcast_in_dim3A_48 : vector<16xf32> to vector<1x16xf32>
      tpu.vector_store %arg8[%swap3A_49, %swap3A_50], %swap3A_53 {strides = array<i32>} : memref<128x128xf32, #tpu.memory_space<vmem>>, vector<1x16xf32>,
      %broadcast_in_dim3A_54 = arith.constant 0.000000e+00 : f32
      %broadcast_in_dim3A_55 = vector.broadcast %broadcast_in_dim3A_54 : f32 to vector<16xf32>
      %swap3A_56 = arith.index_cast %add3A_41 : i32 to index
      %swap3A_57 = arith.constant 32 : index
      %swap3A_58 = tpu.vector_load %arg8[%swap3A_56, %swap3A_57] {strides = array<i32>} : memref<128x128xf32, #tpu.memory_space<vmem>>, vector<1x16xf32>,
      %swap3A_59 = vector.shape_cast %swap3A_58 : vector<1x16xf32> to vector<16xf32>
      %swap3A_60 = vector.shape_cast %broadcast_in_dim3A_55 : vector<16xf32> to vector<1x16xf32>
      tpu.vector_store %arg8[%swap3A_56, %swap3A_57], %swap3A_60 {strides = array<i32>} : memref<128x128xf32, #tpu.memory_space<vmem>>, vector<1x16xf32>,
      %broadcast_in_dim3A_61 = arith.constant 0.000000e+00 : f32
      %broadcast_in_dim3A_62 = vector.broadcast %broadcast_in_dim3A_61 : f32 to vector<16xf32>
      %swap3A_63 = arith.index_cast %add3A_41 : i32 to index
      %swap3A_64 = arith.constant 48 : index
      %swap3A_65 = tpu.vector_load %arg8[%swap3A_63, %swap3A_64] {strides = array<i32>} : memref<128x128xf32, #tpu.memory_space<vmem>>, vector<1x16xf32>,
      %swap3A_66 = vector.shape_cast %swap3A_65 : vector<1x16xf32> to vector<16xf32>
      %swap3A_67 = vector.shape_cast %broadcast_in_dim3A_62 : vector<16xf32> to vector<1x16xf32>
      tpu.vector_store %arg8[%swap3A_63, %swap3A_64], %swap3A_67 {strides = array<i32>} : memref<128x128xf32, #tpu.memory_space<vmem>>, vector<1x16xf32>,
      %broadcast_in_dim3A_68 = arith.constant 0.000000e+00 : f32
      %broadcast_in_dim3A_69 = vector.broadcast %broadcast_in_dim3A_68 : f32 to vector<16xf32>
      %swap3A_70 = arith.index_cast %add3A_41 : i32 to index
      %swap3A_71 = arith.constant 64 : index
      %swap3A_72 = tpu.vector_load %arg8[%swap3A_70, %swap3A_71] {strides = array<i32>} : memref<128x128xf32, #tpu.memory_space<vmem>>, vector<1x16xf32>,
      %swap3A_73 = vector.shape_cast %swap3A_72 : vector<1x16xf32> to vector<16xf32>
      %swap3A_74 = vector.shape_cast %broadcast_in_dim3A_69 : vector<16xf32> to vector<1x16xf32>
      tpu.vector_store %arg8[%swap3A_70, %swap3A_71], %swap3A_74 {strides = array<i32>} : memref<128x128xf32, #tpu.memory_space<vmem>>, vector<1x16xf32>,
      %broadcast_in_dim3A_75 = arith.constant 0.000000e+00 : f32
      %broadcast_in_dim3A_76 = vector.broadcast %broadcast_in_dim3A_75 : f32 to vector<16xf32>
      %swap3A_77 = arith.index_cast %add3A_41 : i32 to index
      %swap3A_78 = arith.constant 80 : index
      %swap3A_79 = tpu.vector_load %arg8[%swap3A_77, %swap3A_78] {strides = array<i32>} : memref<128x128xf32, #tpu.memory_space<vmem>>, vector<1x16xf32>,
      %swap3A_80 = vector.shape_cast %swap3A_79 : vector<1x16xf32> to vector<16xf32>
      %swap3A_81 = vector.shape_cast %broadcast_in_dim3A_76 : vector<16xf32> to vector<1x16xf32>
      tpu.vector_store %arg8[%swap3A_77, %swap3A_78], %swap3A_81 {strides = array<i32>} : memref<128x128xf32, #tpu.memory_space<vmem>>, vector<1x16xf32>,
      %broadcast_in_dim3A_82 = arith.constant 0.000000e+00 : f32
      %broadcast_in_dim3A_83 = vector.broadcast %broadcast_in_dim3A_82 : f32 to vector<16xf32>
      %swap3A_84 = arith.index_cast %add3A_41 : i32 to index
      %swap3A_85 = arith.constant 96 : index
      %swap3A_86 = tpu.vector_load %arg8[%swap3A_84, %swap3A_85] {strides = array<i32>} : memref<128x128xf32, #tpu.memory_space<vmem>>, vector<1x16xf32>,
      %swap3A_87 = vector.shape_cast %swap3A_86 : vector<1x16xf32> to vector<16xf32>
      %swap3A_88 = vector.shape_cast %broadcast_in_dim3A_83 : vector<16xf32> to vector<1x16xf32>
      tpu.vector_store %arg8[%swap3A_84, %swap3A_85], %swap3A_88 {strides = array<i32>} : memref<128x128xf32, #tpu.memory_space<vmem>>, vector<1x16xf32>,
      %broadcast_in_dim3A_89 = arith.constant 0.000000e+00 : f32
      %broadcast_in_dim3A_90 = vector.broadcast %broadcast_in_dim3A_89 : f32 to vector<16xf32>
      %swap3A_91 = arith.index_cast %add3A_41 : i32 to index
      %swap3A_92 = arith.constant 112 : index
      %swap3A_93 = tpu.vector_load %arg8[%swap3A_91, %swap3A_92] {strides = array<i32>} : memref<128x128xf32, #tpu.memory_space<vmem>>, vector<1x16xf32>,
      %swap3A_94 = vector.shape_cast %swap3A_93 : vector<1x16xf32> to vector<16xf32>
      %swap3A_95 = vector.shape_cast %broadcast_in_dim3A_90 : vector<16xf32> to vector<1x16xf32>
      tpu.vector_store %arg8[%swap3A_91, %swap3A_92], %swap3A_95 {strides = array<i32>} : memref<128x128xf32, #tpu.memory_space<vmem>>, vector<1x16xf32>,
    }
    %scan3A_4 = arith.constant 128 : i32
    %mul3A_5 = arith.constant 640 : i32
    %mul3A_6 = arith.muli %arg1, %mul3A_5 : i32
    %add3A_7 = arith.constant 0 : i32
    %add3A_8 = arith.addi %mul3A_6, %add3A_7 : i32
    "tpu.region"() ({
      %run_scoped3A = tpu.sem_alloc : memref<!tpu.dma_semaphore, #tpu.memory_space<semaphore_mem>>
      %dma_start3A = arith.constant 0 : i32
      %dma_start3A_37 = tpu.memref_slice %arg10[%add3A_8, %dma_start3A] : memref<10240x128xf32, #tpu.memory_space<vmem_shared>> -> memref<128x128xf32, #tpu.memory_space<vmem_shared>>
      %dma_start3A_38 = arith.constant 0 : i32
      %dma_start3A_39 = tpu.memref_slice %arg10[%add3A_8, %dma_start3A_38] : memref<10240x128xf32, #tpu.memory_space<vmem_shared>> -> memref<128x128xf32, #tpu.memory_space<vmem_shared>>
      tpu.enqueue_dma source(%arg8 : memref<128x128xf32, #tpu.memory_space<vmem>>) target(%dma_start3A_39 : memref<128x128xf32, #tpu.memory_space<vmem_shared>>) target_semaphore(%run_scoped3A : memref<!tpu.dma_semaphore, #tpu.memory_space<semaphore_mem>>)
      %dma_wait3A = arith.constant 0 : i32
      %dma_wait3A_40 = tpu.memref_slice %arg10[%add3A_8, %dma_wait3A] : memref<10240x128xf32, #tpu.memory_space<vmem_shared>> -> memref<128x128xf32, #tpu.memory_space<vmem_shared>>
      %dma_wait3A_41 = arith.constant 0 : i32
      %dma_wait3A_42 = tpu.memref_slice %arg10[%add3A_8, %dma_wait3A_41] : memref<10240x128xf32, #tpu.memory_space<vmem_shared>> -> memref<128x128xf32, #tpu.memory_space<vmem_shared>>
      tpu.wait_dma2 semaphore(%run_scoped3A : memref<!tpu.dma_semaphore, #tpu.memory_space<semaphore_mem>>) src(%arg8 : memref<128x128xf32, #tpu.memory_space<vmem>>) dst(%dma_wait3A_42 : memref<128x128xf32, #tpu.memory_space<vmem_shared>>)
      tpu.yield
    }) : () -> ()
    %mul3A_9 = arith.constant 640 : i32
    %mul3A_10 = arith.muli %arg1, %mul3A_9 : i32
    %add3A_11 = arith.constant 128 : i32
    %add3A_12 = arith.addi %mul3A_10, %add3A_11 : i32
    "tpu.region"() ({
      %run_scoped3A = tpu.sem_alloc : memref<!tpu.dma_semaphore, #tpu.memory_space<semaphore_mem>>
      %dma_start3A = arith.constant 0 : i32
      %dma_start3A_37 = tpu.memref_slice %arg10[%add3A_12, %dma_start3A] : memref<10240x128xf32, #tpu.memory_space<vmem_shared>> -> memref<128x128xf32, #tpu.memory_space<vmem_shared>>
      %dma_start3A_38 = arith.constant 0 : i32
      %dma_start3A_39 = tpu.memref_slice %arg10[%add3A_12, %dma_start3A_38] : memref<10240x128xf32, #tpu.memory_space<vmem_shared>> -> memref<128x128xf32, #tpu.memory_space<vmem_shared>>
      tpu.enqueue_dma source(%arg8 : memref<128x128xf32, #tpu.memory_space<vmem>>) target(%dma_start3A_39 : memref<128x128xf32, #tpu.memory_space<vmem_shared>>) target_semaphore(%run_scoped3A : memref<!tpu.dma_semaphore, #tpu.memory_space<semaphore_mem>>)
      %dma_wait3A = arith.constant 0 : i32
      %dma_wait3A_40 = tpu.memref_slice %arg10[%add3A_12, %dma_wait3A] : memref<10240x128xf32, #tpu.memory_space<vmem_shared>> -> memref<128x128xf32, #tpu.memory_space<vmem_shared>>
      %dma_wait3A_41 = arith.constant 0 : i32
      %dma_wait3A_42 = tpu.memref_slice %arg10[%add3A_12, %dma_wait3A_41] : memref<10240x128xf32, #tpu.memory_space<vmem_shared>> -> memref<128x128xf32, #tpu.memory_space<vmem_shared>>
      tpu.wait_dma2 semaphore(%run_scoped3A : memref<!tpu.dma_semaphore, #tpu.memory_space<semaphore_mem>>) src(%arg8 : memref<128x128xf32, #tpu.memory_space<vmem>>) dst(%dma_wait3A_42 : memref<128x128xf32, #tpu.memory_space<vmem_shared>>)
      tpu.yield
    }) : () -> ()
    %mul3A_13 = arith.constant 640 : i32
    %mul3A_14 = arith.muli %arg1, %mul3A_13 : i32
    %add3A_15 = arith.constant 256 : i32
    %add3A_16 = arith.addi %mul3A_14, %add3A_15 : i32
    "tpu.region"() ({
      %run_scoped3A = tpu.sem_alloc : memref<!tpu.dma_semaphore, #tpu.memory_space<semaphore_mem>>
      %dma_start3A = arith.constant 0 : i32
      %dma_start3A_37 = tpu.memref_slice %arg10[%add3A_16, %dma_start3A] : memref<10240x128xf32, #tpu.memory_space<vmem_shared>> -> memref<128x128xf32, #tpu.memory_space<vmem_shared>>
      %dma_start3A_38 = arith.constant 0 : i32
      %dma_start3A_39 = tpu.memref_slice %arg10[%add3A_16, %dma_start3A_38] : memref<10240x128xf32, #tpu.memory_space<vmem_shared>> -> memref<128x128xf32, #tpu.memory_space<vmem_shared>>
      tpu.enqueue_dma source(%arg8 : memref<128x128xf32, #tpu.memory_space<vmem>>) target(%dma_start3A_39 : memref<128x128xf32, #tpu.memory_space<vmem_shared>>) target_semaphore(%run_scoped3A : memref<!tpu.dma_semaphore, #tpu.memory_space<semaphore_mem>>)
      %dma_wait3A = arith.constant 0 : i32
      %dma_wait3A_40 = tpu.memref_slice %arg10[%add3A_16, %dma_wait3A] : memref<10240x128xf32, #tpu.memory_space<vmem_shared>> -> memref<128x128xf32, #tpu.memory_space<vmem_shared>>
      %dma_wait3A_41 = arith.constant 0 : i32
      %dma_wait3A_42 = tpu.memref_slice %arg10[%add3A_16, %dma_wait3A_41] : memref<10240x128xf32, #tpu.memory_space<vmem_shared>> -> memref<128x128xf32, #tpu.memory_space<vmem_shared>>
      tpu.wait_dma2 semaphore(%run_scoped3A : memref<!tpu.dma_semaphore, #tpu.memory_space<semaphore_mem>>) src(%arg8 : memref<128x128xf32, #tpu.memory_space<vmem>>) dst(%dma_wait3A_42 : memref<128x128xf32, #tpu.memory_space<vmem_shared>>)
      tpu.yield
    }) : () -> ()
    %mul3A_17 = arith.constant 640 : i32
    %mul3A_18 = arith.muli %arg1, %mul3A_17 : i32
    %add3A_19 = arith.constant 384 : i32
    %add3A_20 = arith.addi %mul3A_18, %add3A_19 : i32
    "tpu.region"() ({
      %run_scoped3A = tpu.sem_alloc : memref<!tpu.dma_semaphore, #tpu.memory_space<semaphore_mem>>
      %dma_start3A = arith.constant 0 : i32
      %dma_start3A_37 = tpu.memref_slice %arg10[%add3A_20, %dma_start3A] : memref<10240x128xf32, #tpu.memory_space<vmem_shared>> -> memref<128x128xf32, #tpu.memory_space<vmem_shared>>
      %dma_start3A_38 = arith.constant 0 : i32
      %dma_start3A_39 = tpu.memref_slice %arg10[%add3A_20, %dma_start3A_38] : memref<10240x128xf32, #tpu.memory_space<vmem_shared>> -> memref<128x128xf32, #tpu.memory_space<vmem_shared>>
      tpu.enqueue_dma source(%arg8 : memref<128x128xf32, #tpu.memory_space<vmem>>) target(%dma_start3A_39 : memref<128x128xf32, #tpu.memory_space<vmem_shared>>) target_semaphore(%run_scoped3A : memref<!tpu.dma_semaphore, #tpu.memory_space<semaphore_mem>>)
      %dma_wait3A = arith.constant 0 : i32
      %dma_wait3A_40 = tpu.memref_slice %arg10[%add3A_20, %dma_wait3A] : memref<10240x128xf32, #tpu.memory_space<vmem_shared>> -> memref<128x128xf32, #tpu.memory_space<vmem_shared>>
      %dma_wait3A_41 = arith.constant 0 : i32
      %dma_wait3A_42 = tpu.memref_slice %arg10[%add3A_20, %dma_wait3A_41] : memref<10240x128xf32, #tpu.memory_space<vmem_shared>> -> memref<128x128xf32, #tpu.memory_space<vmem_shared>>
      tpu.wait_dma2 semaphore(%run_scoped3A : memref<!tpu.dma_semaphore, #tpu.memory_space<semaphore_mem>>) src(%arg8 : memref<128x128xf32, #tpu.memory_space<vmem>>) dst(%dma_wait3A_42 : memref<128x128xf32, #tpu.memory_space<vmem_shared>>)
      tpu.yield
    }) : () -> ()
    %mul3A_21 = arith.constant 640 : i32
    %mul3A_22 = arith.muli %arg1, %mul3A_21 : i32
    %add3A_23 = arith.constant 512 : i32
    %add3A_24 = arith.addi %mul3A_22, %add3A_23 : i32
    "tpu.region"() ({
      %run_scoped3A = tpu.sem_alloc : memref<!tpu.dma_semaphore, #tpu.memory_space<semaphore_mem>>
      %dma_start3A = arith.constant 0 : i32
      %dma_start3A_37 = tpu.memref_slice %arg10[%add3A_24, %dma_start3A] : memref<10240x128xf32, #tpu.memory_space<vmem_shared>> -> memref<128x128xf32, #tpu.memory_space<vmem_shared>>
      %dma_start3A_38 = arith.constant 0 : i32
      %dma_start3A_39 = tpu.memref_slice %arg10[%add3A_24, %dma_start3A_38] : memref<10240x128xf32, #tpu.memory_space<vmem_shared>> -> memref<128x128xf32, #tpu.memory_space<vmem_shared>>
      tpu.enqueue_dma source(%arg8 : memref<128x128xf32, #tpu.memory_space<vmem>>) target(%dma_start3A_39 : memref<128x128xf32, #tpu.memory_space<vmem_shared>>) target_semaphore(%run_scoped3A : memref<!tpu.dma_semaphore, #tpu.memory_space<semaphore_mem>>)
      %dma_wait3A = arith.constant 0 : i32
      %dma_wait3A_40 = tpu.memref_slice %arg10[%add3A_24, %dma_wait3A] : memref<10240x128xf32, #tpu.memory_space<vmem_shared>> -> memref<128x128xf32, #tpu.memory_space<vmem_shared>>
      %dma_wait3A_41 = arith.constant 0 : i32
      %dma_wait3A_42 = tpu.memref_slice %arg10[%add3A_24, %dma_wait3A_41] : memref<10240x128xf32, #tpu.memory_space<vmem_shared>> -> memref<128x128xf32, #tpu.memory_space<vmem_shared>>
      tpu.wait_dma2 semaphore(%run_scoped3A : memref<!tpu.dma_semaphore, #tpu.memory_space<semaphore_mem>>) src(%arg8 : memref<128x128xf32, #tpu.memory_space<vmem>>) dst(%dma_wait3A_42 : memref<128x128xf32, #tpu.memory_space<vmem_shared>>)
      tpu.yield
    }) : () -> ()
    "tpu.region"() ({
      %run_scoped3A = tpu.sem_alloc : memref<!tpu.dma_semaphore, #tpu.memory_space<semaphore_mem>>
      %dma_start3A = arith.constant 0 : i32
      %dma_start3A_37 = arith.constant 0 : i32
      %dma_start3A_38 = tpu.memref_slice %arg3[%add3A, %dma_start3A, %dma_start3A_37] : memref<32x80x128xi32, #tpu.memory_space<hbm>> -> memref<1x80x128xi32, #tpu.memory_space<hbm>>
      %dma_start3A_39 = tpu.memref_squeeze %dma_start3A_38 : memref<1x80x128xi32, #tpu.memory_space<hbm>> -> memref<80x128xi32, #tpu.memory_space<hbm>>
      %dma_start3A_40 = arith.constant 0 : i32
      %dma_start3A_41 = arith.constant 0 : i32
      %dma_start3A_42 = tpu.memref_slice %arg3[%add3A, %dma_start3A_40, %dma_start3A_41] : memref<32x80x128xi32, #tpu.memory_space<hbm>> -> memref<1x80x128xi32, #tpu.memory_space<hbm>>
      %dma_start3A_43 = tpu.memref_squeeze %dma_start3A_42 : memref<1x80x128xi32, #tpu.memory_space<hbm>> -> memref<80x128xi32, #tpu.memory_space<hbm>>
      tpu.enqueue_dma source(%dma_start3A_43 : memref<80x128xi32, #tpu.memory_space<hbm>>) target(%arg6 : memref<80x128xi32, #tpu.memory_space<vmem>>) target_semaphore(%run_scoped3A : memref<!tpu.dma_semaphore, #tpu.memory_space<semaphore_mem>>)
      %dma_wait3A = arith.constant 0 : i32
      %dma_wait3A_44 = arith.constant 0 : i32
      %dma_wait3A_45 = tpu.memref_slice %arg3[%add3A, %dma_wait3A, %dma_wait3A_44] : memref<32x80x128xi32, #tpu.memory_space<hbm>> -> memref<1x80x128xi32, #tpu.memory_space<hbm>>
      %dma_wait3A_46 = tpu.memref_squeeze %dma_wait3A_45 : memref<1x80x128xi32, #tpu.memory_space<hbm>> -> memref<80x128xi32, #tpu.memory_space<hbm>>
      %dma_wait3A_47 = arith.constant 0 : i32
      %dma_wait3A_48 = arith.constant 0 : i32
      %dma_wait3A_49 = tpu.memref_slice %arg3[%add3A, %dma_wait3A_47, %dma_wait3A_48] : memref<32x80x128xi32, #tpu.memory_space<hbm>> -> memref<1x80x128xi32, #tpu.memory_space<hbm>>
      %dma_wait3A_50 = tpu.memref_squeeze %dma_wait3A_49 : memref<1x80x128xi32, #tpu.memory_space<hbm>> -> memref<80x128xi32, #tpu.memory_space<hbm>>
      tpu.wait_dma2 semaphore(%run_scoped3A : memref<!tpu.dma_semaphore, #tpu.memory_space<semaphore_mem>>) src(%dma_wait3A_50 : memref<80x128xi32, #tpu.memory_space<hbm>>) dst(%arg6 : memref<80x128xi32, #tpu.memory_space<vmem>>)
      tpu.yield
    }) : () -> ()
    "tpu.region"() ({
      %run_scoped3A = tpu.sem_alloc : memref<!tpu.dma_semaphore, #tpu.memory_space<semaphore_mem>>
      %dma_start3A = arith.constant 0 : i32
      %dma_start3A_37 = arith.constant 0 : i32
      %dma_start3A_38 = tpu.memref_slice %arg4[%add3A, %dma_start3A, %dma_start3A_37] : memref<32x80x128xi32, #tpu.memory_space<hbm>> -> memref<1x80x128xi32, #tpu.memory_space<hbm>>
      %dma_start3A_39 = tpu.memref_squeeze %dma_start3A_38 : memref<1x80x128xi32, #tpu.memory_space<hbm>> -> memref<80x128xi32, #tpu.memory_space<hbm>>
      %dma_start3A_40 = arith.constant 0 : i32
      %dma_start3A_41 = arith.constant 0 : i32
      %dma_start3A_42 = tpu.memref_slice %arg4[%add3A, %dma_start3A_40, %dma_start3A_41] : memref<32x80x128xi32, #tpu.memory_space<hbm>> -> memref<1x80x128xi32, #tpu.memory_space<hbm>>
      %dma_start3A_43 = tpu.memref_squeeze %dma_start3A_42 : memref<1x80x128xi32, #tpu.memory_space<hbm>> -> memref<80x128xi32, #tpu.memory_space<hbm>>
      tpu.enqueue_dma source(%dma_start3A_43 : memref<80x128xi32, #tpu.memory_space<hbm>>) target(%arg7 : memref<80x128xi32, #tpu.memory_space<vmem>>) target_semaphore(%run_scoped3A : memref<!tpu.dma_semaphore, #tpu.memory_space<semaphore_mem>>)
      %dma_wait3A = arith.constant 0 : i32
      %dma_wait3A_44 = arith.constant 0 : i32
      %dma_wait3A_45 = tpu.memref_slice %arg4[%add3A, %dma_wait3A, %dma_wait3A_44] : memref<32x80x128xi32, #tpu.memory_space<hbm>> -> memref<1x80x128xi32, #tpu.memory_space<hbm>>
      %dma_wait3A_46 = tpu.memref_squeeze %dma_wait3A_45 : memref<1x80x128xi32, #tpu.memory_space<hbm>> -> memref<80x128xi32, #tpu.memory_space<hbm>>
      %dma_wait3A_47 = arith.constant 0 : i32
      %dma_wait3A_48 = arith.constant 0 : i32
      %dma_wait3A_49 = tpu.memref_slice %arg4[%add3A, %dma_wait3A_47, %dma_wait3A_48] : memref<32x80x128xi32, #tpu.memory_space<hbm>> -> memref<1x80x128xi32, #tpu.memory_space<hbm>>
      %dma_wait3A_50 = tpu.memref_squeeze %dma_wait3A_49 : memref<1x80x128xi32, #tpu.memory_space<hbm>> -> memref<80x128xi32, #tpu.memory_space<hbm>>
      tpu.wait_dma2 semaphore(%run_scoped3A : memref<!tpu.dma_semaphore, #tpu.memory_space<semaphore_mem>>) src(%dma_wait3A_50 : memref<80x128xi32, #tpu.memory_space<hbm>>) dst(%arg7 : memref<80x128xi32, #tpu.memory_space<vmem>>)
      tpu.yield
    }) : () -> ()
    %barrier3A = arith.constant 0 : index
    tpu.barrier barrier_id(%barrier3A)
    %scan3A_25 = arith.constant 0 : i32
    %scan3A_26 = arith.constant 80 : i32
    %scan3A_27 = arith.addi %scan3A_25, %scan3A_26 : i32
    %scan3A_28 = arith.constant 1 : i32
    scf.for %scan3A_37 = %scan3A_25 to %scan3A_27 step %scan3A_28  : i32 {
      %mul3A_38 = arith.constant 1 : i32
      %mul3A_39 = arith.muli %scan3A_37, %mul3A_38 : i32
      %add3A_40 = arith.constant 0 : i32
      %add3A_41 = arith.addi %add3A_40, %mul3A_39 : i32
      %dma_start3A = arith.constant 0 : i32
      %dma_start3A_42 = tpu.memref_slice %arg6[%add3A_41, %dma_start3A] : memref<80x128xi32, #tpu.memory_space<vmem>> -> memref<1x128xi32, #tpu.memory_space<vmem>>
      %dma_start3A_43 = tpu.memref_squeeze %dma_start3A_42 : memref<1x128xi32, #tpu.memory_space<vmem>> -> memref<128xi32, #tpu.memory_space<vmem>>
      %dma_start3A_44 = arith.constant 0 : i32
      %dma_start3A_45 = arith.constant 0 : i32
      %dma_start3A_46 = tpu.memref_slice %arg2[%dma_start3A_44, %dma_start3A_45] : memref<10000x128xf32, #tpu.memory_space<hbm>> -> memref<10000x128xf32, #tpu.memory_space<hbm>>
      tpu.enqueue_indirect_dma source(%dma_start3A_46 : memref<10000x128xf32, #tpu.memory_space<hbm>>) target(%arg8 : memref<128x128xf32, #tpu.memory_space<vmem>>) offsets(%dma_start3A_43 : memref<128xi32, #tpu.memory_space<vmem>>) semaphore(%arg11 : memref<!tpu.dma_semaphore, #tpu.memory_space<semaphore_mem>>)
      %dma_wait3A = arith.constant 0 : i32
      %dma_wait3A_47 = tpu.memref_slice %arg6[%add3A_41, %dma_wait3A] : memref<80x128xi32, #tpu.memory_space<vmem>> -> memref<1x128xi32, #tpu.memory_space<vmem>>
      %dma_wait3A_48 = tpu.memref_squeeze %dma_wait3A_47 : memref<1x128xi32, #tpu.memory_space<vmem>> -> memref<128xi32, #tpu.memory_space<vmem>>
      %dma_wait3A_49 = arith.constant 0 : i32
      %dma_wait3A_50 = arith.constant 0 : i32
      %dma_wait3A_51 = tpu.memref_slice %arg2[%dma_wait3A_49, %dma_wait3A_50] : memref<10000x128xf32, #tpu.memory_space<hbm>> -> memref<10000x128xf32, #tpu.memory_space<hbm>>
      tpu.wait_indirect_dma semaphore(%arg11 : memref<!tpu.dma_semaphore, #tpu.memory_space<semaphore_mem>>) src(%dma_wait3A_51 : memref<10000x128xf32, #tpu.memory_space<hbm>>) dst(%arg8 : memref<128x128xf32, #tpu.memory_space<vmem>>)
      "tpu.region"() ({
        %run_scoped3A = tpu.sem_alloc : memref<!tpu.dma_semaphore, #tpu.memory_space<semaphore_mem>>
        %dma_start3A_52 = arith.constant 0 : i32
        %dma_start3A_53 = tpu.memref_slice %arg7[%add3A_41, %dma_start3A_52] : memref<80x128xi32, #tpu.memory_space<vmem>> -> memref<1x128xi32, #tpu.memory_space<vmem>>
        %dma_start3A_54 = tpu.memref_squeeze %dma_start3A_53 : memref<1x128xi32, #tpu.memory_space<vmem>> -> memref<128xi32, #tpu.memory_space<vmem>>
        %dma_start3A_55 = arith.constant 0 : i32
        %dma_start3A_56 = arith.constant 0 : i32
        %dma_start3A_57 = tpu.memref_slice %arg10[%dma_start3A_55, %dma_start3A_56] : memref<10240x128xf32, #tpu.memory_space<vmem_shared>> -> memref<10240x128xf32, #tpu.memory_space<vmem_shared>>
        tpu.enqueue_indirect_dma source(%arg8 : memref<128x128xf32, #tpu.memory_space<vmem>>) target(%dma_start3A_57 : memref<10240x128xf32, #tpu.memory_space<vmem_shared>>) offsets(%dma_start3A_54 : memref<128xi32, #tpu.memory_space<vmem>>) semaphore(%run_scoped3A : memref<!tpu.dma_semaphore, #tpu.memory_space<semaphore_mem>>) {add = true}
        %dma_wait3A_58 = arith.constant 0 : i32
        %dma_wait3A_59 = tpu.memref_slice %arg7[%add3A_41, %dma_wait3A_58] : memref<80x128xi32, #tpu.memory_space<vmem>> -> memref<1x128xi32, #tpu.memory_space<vmem>>
        %dma_wait3A_60 = tpu.memref_squeeze %dma_wait3A_59 : memref<1x128xi32, #tpu.memory_space<vmem>> -> memref<128xi32, #tpu.memory_space<vmem>>
        %dma_wait3A_61 = arith.constant 0 : i32
        %dma_wait3A_62 = arith.constant 0 : i32
        %dma_wait3A_63 = tpu.memref_slice %arg10[%dma_wait3A_61, %dma_wait3A_62] : memref<10240x128xf32, #tpu.memory_space<vmem_shared>> -> memref<10240x128xf32, #tpu.memory_space<vmem_shared>>
        tpu.wait_indirect_dma semaphore(%run_scoped3A : memref<!tpu.dma_semaphore, #tpu.memory_space<semaphore_mem>>) src(%arg8 : memref<128x128xf32, #tpu.memory_space<vmem>>) dst(%dma_wait3A_63 : memref<10240x128xf32, #tpu.memory_space<vmem_shared>>)
        tpu.yield
      }) : () -> ()
    }
    %scan3A_29 = arith.constant 80 : i32
    %barrier3A_30 = arith.constant 0 : index
    tpu.barrier barrier_id(%barrier3A_30)
    %lt3A = arith.constant 15 : i32
    %lt3A_31 = arith.cmpi slt, %arg1, %lt3A : i32
    %convert_element_type3A = arith.extui %lt3A_31 : i1 to i32
    %cond3A = arith.constant 0 : i32
    %cond3A_32 = arith.cmpi ne, %convert_element_type3A, %cond3A : i32
    scf.if %cond3A_32 {
      %mul3A_37 = arith.constant 640 : i32
      %mul3A_38 = arith.muli %arg1, %mul3A_37 : i32
      %mul3A_39 = arith.constant 640 : i32
      %mul3A_40 = arith.muli %arg1, %mul3A_39 : i32
      "tpu.region"() ({
        %run_scoped3A = tpu.sem_alloc : memref<!tpu.dma_semaphore, #tpu.memory_space<semaphore_mem>>
        %dma_start3A = arith.constant 0 : i32
        %dma_start3A_41 = tpu.memref_slice %arg5[%arg0, %mul3A_40, %dma_start3A] : memref<2x10000x128xf32, #tpu.memory_space<hbm>> -> memref<1x640x128xf32, #tpu.memory_space<hbm>>
        %dma_start3A_42 = tpu.memref_squeeze %dma_start3A_41 : memref<1x640x128xf32, #tpu.memory_space<hbm>> -> memref<640x128xf32, #tpu.memory_space<hbm>>
        %dma_start3A_43 = arith.constant 0 : i32
        %dma_start3A_44 = tpu.memref_slice %arg10[%mul3A_38, %dma_start3A_43] : memref<10240x128xf32, #tpu.memory_space<vmem_shared>> -> memref<640x128xf32, #tpu.memory_space<vmem_shared>>
        tpu.enqueue_dma source(%dma_start3A_44 : memref<640x128xf32, #tpu.memory_space<vmem_shared>>) target(%dma_start3A_42 : memref<640x128xf32, #tpu.memory_space<hbm>>) target_semaphore(%run_scoped3A : memref<!tpu.dma_semaphore, #tpu.memory_space<semaphore_mem>>)
        %dma_wait3A = arith.constant 0 : i32
        %dma_wait3A_45 = tpu.memref_slice %arg5[%arg0, %mul3A_40, %dma_wait3A] : memref<2x10000x128xf32, #tpu.memory_space<hbm>> -> memref<1x640x128xf32, #tpu.memory_space<hbm>>
        %dma_wait3A_46 = tpu.memref_squeeze %dma_wait3A_45 : memref<1x640x128xf32, #tpu.memory_space<hbm>> -> memref<640x128xf32, #tpu.memory_space<hbm>>
        %dma_wait3A_47 = arith.constant 0 : i32
        %dma_wait3A_48 = tpu.memref_slice %arg10[%mul3A_38, %dma_wait3A_47] : memref<10240x128xf32, #tpu.memory_space<vmem_shared>> -> memref<640x128xf32, #tpu.memory_space<vmem_shared>>
        tpu.wait_dma2 semaphore(%run_scoped3A : memref<!tpu.dma_semaphore, #tpu.memory_space<semaphore_mem>>) src(%dma_wait3A_48 : memref<640x128xf32, #tpu.memory_space<vmem_shared>>) dst(%dma_wait3A_46 : memref<640x128xf32, #tpu.memory_space<hbm>>)
        tpu.yield
      }) : () -> ()
    } else {
    }
    %eq3A = arith.constant 15 : i32
    %eq3A_33 = arith.cmpi eq, %arg1, %eq3A : i32
    %convert_element_type3A_34 = arith.extui %eq3A_33 : i1 to i32
    %cond3A_35 = arith.constant 0 : i32
    %cond3A_36 = arith.cmpi ne, %convert_element_type3A_34, %cond3A_35 : i32
    scf.if %cond3A_36 {
      "tpu.region"() ({
        %run_scoped3A = tpu.sem_alloc : memref<!tpu.dma_semaphore, #tpu.memory_space<semaphore_mem>>
        %dma_start3A = arith.constant 9600 : i32
        %dma_start3A_37 = arith.constant 0 : i32
        %dma_start3A_38 = tpu.memref_slice %arg5[%arg0, %dma_start3A, %dma_start3A_37] : memref<2x10000x128xf32, #tpu.memory_space<hbm>> -> memref<1x400x128xf32, #tpu.memory_space<hbm>>
        %dma_start3A_39 = tpu.memref_squeeze %dma_start3A_38 : memref<1x400x128xf32, #tpu.memory_space<hbm>> -> memref<400x128xf32, #tpu.memory_space<hbm>>
        %dma_start3A_40 = arith.constant 9600 : i32
        %dma_start3A_41 = arith.constant 0 : i32
        %dma_start3A_42 = tpu.memref_slice %arg10[%dma_start3A_40, %dma_start3A_41] : memref<10240x128xf32, #tpu.memory_space<vmem_shared>> -> memref<400x128xf32, #tpu.memory_space<vmem_shared>>
        tpu.enqueue_dma source(%dma_start3A_42 : memref<400x128xf32, #tpu.memory_space<vmem_shared>>) target(%dma_start3A_39 : memref<400x128xf32, #tpu.memory_space<hbm>>) target_semaphore(%run_scoped3A : memref<!tpu.dma_semaphore, #tpu.memory_space<semaphore_mem>>)
        %dma_wait3A = arith.constant 9600 : i32
        %dma_wait3A_43 = arith.constant 0 : i32
        %dma_wait3A_44 = tpu.memref_slice %arg5[%arg0, %dma_wait3A, %dma_wait3A_43] : memref<2x10000x128xf32, #tpu.memory_space<hbm>> -> memref<1x400x128xf32, #tpu.memory_space<hbm>>
        %dma_wait3A_45 = tpu.memref_squeeze %dma_wait3A_44 : memref<1x400x128xf32, #tpu.memory_space<hbm>> -> memref<400x128xf32, #tpu.memory_space<hbm>>
        %dma_wait3A_46 = arith.constant 9600 : i32
        %dma_wait3A_47 = arith.constant 0 : i32
        %dma_wait3A_48 = tpu.memref_slice %arg10[%dma_wait3A_46, %dma_wait3A_47] : memref<10240x128xf32, #tpu.memory_space<vmem_shared>> -> memref<400x128xf32, #tpu.memory_space<vmem_shared>>
        tpu.wait_dma2 semaphore(%run_scoped3A : memref<!tpu.dma_semaphore, #tpu.memory_space<semaphore_mem>>) src(%dma_wait3A_48 : memref<400x128xf32, #tpu.memory_space<vmem_shared>>) dst(%dma_wait3A_45 : memref<400x128xf32, #tpu.memory_space<hbm>>)
        tpu.yield
      }) : () -> ()
    } else {
    }
    return
  }
}

module attributes {stable_mosaic.version = 14 : i64} {
  func.func @body(%arg0: i32, %arg1: memref<2x1000x16xf32, #tpu.memory_space<vmem>>, %arg2: memref<1000x128xf32, #tpu.memory_space<vmem>>, %arg3: memref<1000x128xf32, #tpu.memory_space<vmem>>, %arg4: memref<1000x128xf32, #tpu.memory_space<vmem>>) attributes {dimension_semantics = [#tpu.dimension_semantics<arbitrary>], iteration_bounds = array<i64: 10>, scalar_prefetch = 0 : i64, scratch_operands = 0 : i64, tpu.core_type = #tpu.core_type<tc>, window_params = [{transform_indices = @transform_0, window_bounds = array<i64: 2, 1000, 16>}, {transform_indices = @transform_1, window_bounds = array<i64: 1000, 128>}, {transform_indices = @transform_2, window_bounds = array<i64: 1000, 128>}, {transform_indices = @transform_3, window_bounds = array<i64: 1000, 128>}]} {
    %get3A = arith.constant 0 : index
    %get3A_0 = arith.constant 0 : index
    %get3A_1 = arith.constant 0 : index
    %get3A_2 = vector.load %arg1[%get3A, %get3A_0, %get3A_1] : memref<2x1000x16xf32, #tpu.memory_space<vmem>>, vector<1x1000x16xf32>
    %get3A_3 = vector.shape_cast %get3A_2 : vector<1x1000x16xf32> to vector<1000x16xf32>
    %get3A_4 = arith.constant 1 : index
    %get3A_5 = arith.constant 0 : index
    %get3A_6 = arith.constant 0 : index
    %get3A_7 = vector.load %arg1[%get3A_4, %get3A_5, %get3A_6] : memref<2x1000x16xf32, #tpu.memory_space<vmem>>, vector<1x1000x16xf32>
    %get3A_8 = vector.shape_cast %get3A_7 : vector<1x1000x16xf32> to vector<1000x16xf32>
    %add3A = arith.addf %get3A_3, %get3A_8 : vector<1000x16xf32>
    %add3A_9 = arith.constant 1.000000e+00 : f32
    %add3A_10 = vector.broadcast %add3A_9 : f32 to vector<1000x16xf32>
    %add3A_11 = arith.addf %add3A, %add3A_10 : vector<1000x16xf32>
    %rsqrt3A = math.rsqrt %add3A_11 : vector<1000x16xf32>
    %slice3A = vector.extract_strided_slice %rsqrt3A {offsets = [0, 0], sizes = [1000, 1], strides = [1, 1]} : vector<1000x16xf32> to vector<1000x1xf32>
    %broadcast_in_dim3A = vector.shape_cast %slice3A : vector<1000x1xf32> to vector<1000x1xf32>
    %broadcast_in_dim3A_12 = vector.broadcast %broadcast_in_dim3A : vector<1000x1xf32> to vector<1000x128xf32>
    %swap3A = arith.constant 0 : index
    %swap3A_13 = arith.constant 0 : index
    %swap3A_14 = vector.load %arg4[%swap3A, %swap3A_13] : memref<1000x128xf32, #tpu.memory_space<vmem>>, vector<1000x128xf32>
    tpu.vector_store %arg4[%swap3A, %swap3A_13], %broadcast_in_dim3A_12 {strides = array<i32>} : memref<1000x128xf32, #tpu.memory_space<vmem>>, vector<1000x128xf32>,
    %get3A_15 = arith.constant 0 : index
    %get3A_16 = arith.constant 0 : index
    %get3A_17 = vector.load %arg2[%get3A_15, %get3A_16] : memref<1000x128xf32, #tpu.memory_space<vmem>>, vector<1000x128xf32>
    %mul3A = arith.mulf %get3A_17, %broadcast_in_dim3A_12 : vector<1000x128xf32>
    %swap3A_18 = arith.constant 0 : index
    %swap3A_19 = arith.constant 0 : index
    %swap3A_20 = vector.load %arg3[%swap3A_18, %swap3A_19] : memref<1000x128xf32, #tpu.memory_space<vmem>>, vector<1000x128xf32>
    tpu.vector_store %arg3[%swap3A_18, %swap3A_19], %mul3A {strides = array<i32>} : memref<1000x128xf32, #tpu.memory_space<vmem>>, vector<1000x128xf32>,
    return
  }
  func.func @transform_0(%arg0: i32) -> (i32, i32, i32) {
    %c0_i32 = arith.constant 0 : i32
    %c0_i32_0 = arith.constant 0 : i32
    %c0_i32_1 = arith.constant 0 : i32
    return %c0_i32, %arg0, %c0_i32_0 : i32, i32, i32
  }
  func.func @transform_1(%arg0: i32) -> (i32, i32) {
    %c0_i32 = arith.constant 0 : i32
    %c0_i32_0 = arith.constant 0 : i32
    return %arg0, %c0_i32 : i32, i32
  }
  func.func @transform_2(%arg0: i32) -> (i32, i32) {
    %c0_i32 = arith.constant 0 : i32
    %c0_i32_0 = arith.constant 0 : i32
    return %arg0, %c0_i32 : i32, i32
  }
  func.func @transform_3(%arg0: i32) -> (i32, i32) {
    %c0_i32 = arith.constant 0 : i32
    %c0_i32_0 = arith.constant 0 : i32
    return %arg0, %c0_i32 : i32, i32
  }
}

module attributes {stable_mosaic.version = 14 : i64} {
  func.func @body(%arg0: i32, %arg1: memref<2x1000x128xf32, #tpu.memory_space<vmem>>, %arg2: memref<1000x128xf32, #tpu.memory_space<vmem>>, %arg3: memref<1000x128xf32, #tpu.memory_space<vmem>>, %arg4: memref<128x256xf32, #tpu.memory_space<vmem>>, %arg5: memref<1x256xf32, #tpu.memory_space<vmem>>, %arg6: memref<256x16xf32, #tpu.memory_space<vmem>>, %arg7: memref<1000x16xf32, #tpu.memory_space<vmem>>) attributes {dimension_semantics = [#tpu.dimension_semantics<arbitrary>], iteration_bounds = array<i64: 10>, scalar_prefetch = 0 : i64, scratch_operands = 0 : i64, tpu.core_type = #tpu.core_type<tc>, window_params = [{transform_indices = @transform_0, window_bounds = array<i64: 2, 1000, 128>}, {transform_indices = @transform_1, window_bounds = array<i64: 1000, 128>}, {transform_indices = @transform_2, window_bounds = array<i64: 1000, 128>}, {pipeline_mode = #tpu.pipeline_mode<synchronous>, transform_indices = @transform_3, window_bounds = array<i64: 128, 256>}, {pipeline_mode = #tpu.pipeline_mode<synchronous>, transform_indices = @transform_4, window_bounds = array<i64: 1, 256>}, {pipeline_mode = #tpu.pipeline_mode<synchronous>, transform_indices = @transform_5, window_bounds = array<i64: 256, 16>}, {transform_indices = @transform_6, window_bounds = array<i64: 1000, 16>}]} {
    %get3A = arith.constant 0 : index
    %get3A_0 = arith.constant 0 : index
    %get3A_1 = vector.load %arg3[%get3A, %get3A_0] : memref<1000x128xf32, #tpu.memory_space<vmem>>, vector<1000x128xf32>
    %get3A_2 = arith.constant 0 : index
    %get3A_3 = arith.constant 0 : index
    %get3A_4 = arith.constant 0 : index
    %get3A_5 = vector.load %arg1[%get3A_2, %get3A_3, %get3A_4] : memref<2x1000x128xf32, #tpu.memory_space<vmem>>, vector<1x1000x128xf32>
    %get3A_6 = vector.shape_cast %get3A_5 : vector<1x1000x128xf32> to vector<1000x128xf32>
    %get3A_7 = arith.constant 1 : index
    %get3A_8 = arith.constant 0 : index
    %get3A_9 = arith.constant 0 : index
    %get3A_10 = vector.load %arg1[%get3A_7, %get3A_8, %get3A_9] : memref<2x1000x128xf32, #tpu.memory_space<vmem>>, vector<1x1000x128xf32>
    %get3A_11 = vector.shape_cast %get3A_10 : vector<1x1000x128xf32> to vector<1000x128xf32>
    %add3A = arith.addf %get3A_6, %get3A_11 : vector<1000x128xf32>
    %get3A_12 = arith.constant 0 : index
    %get3A_13 = arith.constant 0 : index
    %get3A_14 = vector.load %arg2[%get3A_12, %get3A_13] : memref<1000x128xf32, #tpu.memory_space<vmem>>, vector<1000x128xf32>
    %add3A_15 = arith.addf %add3A, %get3A_14 : vector<1000x128xf32>
    %mul3A = arith.mulf %add3A_15, %get3A_1 : vector<1000x128xf32>
    %get3A_16 = arith.constant 0 : index
    %get3A_17 = arith.constant 0 : index
    %get3A_18 = vector.load %arg4[%get3A_16, %get3A_17] : memref<128x256xf32, #tpu.memory_space<vmem>>, vector<128x256xf32>
    %dot_general3A = arith.constant dense<0.000000e+00> : vector<1000x256xf32>
    %dot_general3A_19 = tpu.matmul %mul3A, %get3A_18, %dot_general3A {dimension_numbers = #tpu.dot_dimension_numbers<[1], [0], [0], [1], [0, 0, 1, 1], [], []>, precision = #tpu.contract_precision<fp32>, transpose_lhs_hint = false} : vector<1000x128xf32>, vector<128x256xf32>, vector<1000x256xf32> -> vector<1000x256xf32>
    %get3A_20 = arith.constant 0 : index
    %get3A_21 = arith.constant 0 : index
    %get3A_22 = vector.load %arg5[%get3A_20, %get3A_21] : memref<1x256xf32, #tpu.memory_space<vmem>>, vector<1x256xf32>
    %add3A_23 = vector.broadcast %get3A_22 : vector<1x256xf32> to vector<1000x256xf32>
    %add3A_24 = arith.addf %dot_general3A_19, %add3A_23 : vector<1000x256xf32>
    %max3A = arith.constant 0.000000e+00 : f32
    %max3A_25 = vector.broadcast %max3A : f32 to vector<1000x256xf32>
    %max3A_26 = arith.maximumf %add3A_24, %max3A_25 : vector<1000x256xf32>
    %get3A_27 = arith.constant 0 : index
    %get3A_28 = arith.constant 0 : index
    %get3A_29 = vector.load %arg6[%get3A_27, %get3A_28] : memref<256x16xf32, #tpu.memory_space<vmem>>, vector<256x16xf32>
    %dot_general3A_30 = arith.constant dense<0.000000e+00> : vector<1000x16xf32>
    %dot_general3A_31 = tpu.matmul %max3A_26, %get3A_29, %dot_general3A_30 {dimension_numbers = #tpu.dot_dimension_numbers<[1], [0], [0], [1], [0, 0, 1, 1], [], []>, precision = #tpu.contract_precision<fp32>, transpose_lhs_hint = false} : vector<1000x256xf32>, vector<256x16xf32>, vector<1000x16xf32> -> vector<1000x16xf32>
    %slice3A = vector.extract_strided_slice %get3A_1 {offsets = [0, 0], sizes = [1000, 16], strides = [1, 1]} : vector<1000x128xf32> to vector<1000x16xf32>
    %mul3A_32 = arith.mulf %dot_general3A_31, %slice3A : vector<1000x16xf32>
    %swap3A = arith.constant 0 : index
    %swap3A_33 = arith.constant 0 : index
    %swap3A_34 = vector.load %arg7[%swap3A, %swap3A_33] : memref<1000x16xf32, #tpu.memory_space<vmem>>, vector<1000x16xf32>
    tpu.vector_store %arg7[%swap3A, %swap3A_33], %mul3A_32 {strides = array<i32>} : memref<1000x16xf32, #tpu.memory_space<vmem>>, vector<1000x16xf32>,
    return
  }
  func.func @transform_0(%arg0: i32) -> (i32, i32, i32) {
    %c0_i32 = arith.constant 0 : i32
    %c0_i32_0 = arith.constant 0 : i32
    %c0_i32_1 = arith.constant 0 : i32
    return %c0_i32, %arg0, %c0_i32_0 : i32, i32, i32
  }
  func.func @transform_1(%arg0: i32) -> (i32, i32) {
    %c0_i32 = arith.constant 0 : i32
    %c0_i32_0 = arith.constant 0 : i32
    return %arg0, %c0_i32 : i32, i32
  }
  func.func @transform_2(%arg0: i32) -> (i32, i32) {
    %c0_i32 = arith.constant 0 : i32
    %c0_i32_0 = arith.constant 0 : i32
    return %arg0, %c0_i32 : i32, i32
  }
  func.func @transform_3(%arg0: i32) -> (i32, i32) {
    %c0_i32 = arith.constant 0 : i32
    %c0_i32_0 = arith.constant 0 : i32
    %c0_i32_1 = arith.constant 0 : i32
    return %c0_i32, %c0_i32_0 : i32, i32
  }
  func.func @transform_4(%arg0: i32) -> (i32, i32) {
    %c0_i32 = arith.constant 0 : i32
    %c0_i32_0 = arith.constant 0 : i32
    %c0_i32_1 = arith.constant 0 : i32
    return %c0_i32, %c0_i32_0 : i32, i32
  }
  func.func @transform_5(%arg0: i32) -> (i32, i32) {
    %c0_i32 = arith.constant 0 : i32
    %c0_i32_0 = arith.constant 0 : i32
    %c0_i32_1 = arith.constant 0 : i32
    return %c0_i32, %c0_i32_0 : i32, i32
  }
  func.func @transform_6(%arg0: i32) -> (i32, i32) {
    %c0_i32 = arith.constant 0 : i32
    %c0_i32_0 = arith.constant 0 : i32
    return %arg0, %c0_i32 : i32, i32
  }
}

module attributes {stable_mosaic.version = 14 : i64} {
  func.func @body(%arg0: i32, %arg1: memref<2x1000x16xf32, #tpu.memory_space<vmem>>, %arg2: memref<1000x16xf32, #tpu.memory_space<vmem>>, %arg3: memref<1000x16xf32, #tpu.memory_space<vmem>>, %arg4: memref<1x16xf32, #tpu.memory_space<vmem>>, %arg5: memref<1000x16xf32, #tpu.memory_space<vmem>>) attributes {dimension_semantics = [#tpu.dimension_semantics<arbitrary>], iteration_bounds = array<i64: 10>, scalar_prefetch = 0 : i64, scratch_operands = 0 : i64, tpu.core_type = #tpu.core_type<tc>, window_params = [{transform_indices = @transform_0, window_bounds = array<i64: 2, 1000, 16>}, {transform_indices = @transform_1, window_bounds = array<i64: 1000, 16>}, {transform_indices = @transform_2, window_bounds = array<i64: 1000, 16>}, {pipeline_mode = #tpu.pipeline_mode<synchronous>, transform_indices = @transform_3, window_bounds = array<i64: 1, 16>}, {transform_indices = @transform_4, window_bounds = array<i64: 1000, 16>}]} {
    %get3A = arith.constant 0 : index
    %get3A_0 = arith.constant 0 : index
    %get3A_1 = arith.constant 0 : index
    %get3A_2 = vector.load %arg1[%get3A, %get3A_0, %get3A_1] : memref<2x1000x16xf32, #tpu.memory_space<vmem>>, vector<1x1000x16xf32>
    %get3A_3 = vector.shape_cast %get3A_2 : vector<1x1000x16xf32> to vector<1000x16xf32>
    %get3A_4 = arith.constant 1 : index
    %get3A_5 = arith.constant 0 : index
    %get3A_6 = arith.constant 0 : index
    %get3A_7 = vector.load %arg1[%get3A_4, %get3A_5, %get3A_6] : memref<2x1000x16xf32, #tpu.memory_space<vmem>>, vector<1x1000x16xf32>
    %get3A_8 = vector.shape_cast %get3A_7 : vector<1x1000x16xf32> to vector<1000x16xf32>
    %add3A = arith.addf %get3A_3, %get3A_8 : vector<1000x16xf32>
    %get3A_9 = arith.constant 0 : index
    %get3A_10 = arith.constant 0 : index
    %get3A_11 = vector.load %arg2[%get3A_9, %get3A_10] : memref<1000x16xf32, #tpu.memory_space<vmem>>, vector<1000x16xf32>
    %add3A_12 = arith.addf %add3A, %get3A_11 : vector<1000x16xf32>
    %get3A_13 = arith.constant 0 : index
    %get3A_14 = arith.constant 0 : index
    %get3A_15 = vector.load %arg3[%get3A_13, %get3A_14] : memref<1000x16xf32, #tpu.memory_space<vmem>>, vector<1000x16xf32>
    %mul3A = arith.mulf %add3A_12, %get3A_15 : vector<1000x16xf32>
    %get3A_16 = arith.constant 0 : index
    %get3A_17 = arith.constant 0 : index
    %get3A_18 = vector.load %arg4[%get3A_16, %get3A_17] : memref<1x16xf32, #tpu.memory_space<vmem>>, vector<1x16xf32>
    %add3A_19 = vector.broadcast %get3A_18 : vector<1x16xf32> to vector<1000x16xf32>
    %add3A_20 = arith.addf %mul3A, %add3A_19 : vector<1000x16xf32>
    %swap3A = arith.constant 0 : index
    %swap3A_21 = arith.constant 0 : index
    %swap3A_22 = vector.load %arg5[%swap3A, %swap3A_21] : memref<1000x16xf32, #tpu.memory_space<vmem>>, vector<1000x16xf32>
    tpu.vector_store %arg5[%swap3A, %swap3A_21], %add3A_20 {strides = array<i32>} : memref<1000x16xf32, #tpu.memory_space<vmem>>, vector<1000x16xf32>,
    return
  }
  func.func @transform_0(%arg0: i32) -> (i32, i32, i32) {
    %c0_i32 = arith.constant 0 : i32
    %c0_i32_0 = arith.constant 0 : i32
    %c0_i32_1 = arith.constant 0 : i32
    return %c0_i32, %arg0, %c0_i32_0 : i32, i32, i32
  }
  func.func @transform_1(%arg0: i32) -> (i32, i32) {
    %c0_i32 = arith.constant 0 : i32
    %c0_i32_0 = arith.constant 0 : i32
    return %arg0, %c0_i32 : i32, i32
  }
  func.func @transform_2(%arg0: i32) -> (i32, i32) {
    %c0_i32 = arith.constant 0 : i32
    %c0_i32_0 = arith.constant 0 : i32
    return %arg0, %c0_i32 : i32, i32
  }
  func.func @transform_3(%arg0: i32) -> (i32, i32) {
    %c0_i32 = arith.constant 0 : i32
    %c0_i32_0 = arith.constant 0 : i32
    %c0_i32_1 = arith.constant 0 : i32
    return %c0_i32, %c0_i32_0 : i32, i32
  }
  func.func @transform_4(%arg0: i32) -> (i32, i32) {
    %c0_i32 = arith.constant 0 : i32
    %c0_i32_0 = arith.constant 0 : i32
    return %arg0, %c0_i32 : i32, i32
  }
}

</mosaic_0001>

<sc_bundles>
// kernel: kernel.11.cloned.1.call-start
scs
__scs_entry_jumppad:
0x0: {  	(pc) =	sbr.rel $0x88, $3  }
0x1: {  	(tag) =	ssettag $0x0;
	lr =	simm.s32 $0x1  }
0x2: {  	[smem:$0x3F9B] =	sst lr;
	_ =	strace $0xD0000000  }
0x3: {  	_ = 	snop  }
0x4: {  	_ = 	snop  }
0x5: {  	_ = 	snop  }
0x6: {  	_ = 	snop  }
0x7: {  	_ = 	snop  }
__scs_overlays_trampoline_lowered:
0x8: {  	[smem:$0x3FAA] =	sst s0  }
0x9: {  	[smem:$0x3FAB] =	sst s1  }
0xa: {  	[smem:$0x3FAC] =	sst s2  }
0xb: {  	[smem:$0x3FAD] =	sst s3  }
0xc: {  	[smem:$0x3FAE] =	sst s4  }
0xd: {  	[smem:$0x3FAF] =	sst s5  }
0xe: {  	[smem:$0x3FB0] =	sst s6  }
0xf: {  	[smem:$0x3FB1] =	sst s7  }
0x10: {  	[smem:$0x3FB2] =	sst s8  }
0x11: {  	[smem:$0x3FB3] =	sst s9;
	s0 =	simm.s32 @!p0 $0x0  }
0x12: {  	s1 =	sld [smem:$0x3F99];
	s0 =	simm.s32 @p0 $0x1  }
0x13: {  	[smem:$0x3FB4] =	sst s0;
	s0 =	simm.s32 @!p1 $0x0  }
0x14: {  	s2 =	sld [smem:$0x3F98];
	s0 =	simm.s32 @p1 $0x1  }
0x15: {  	[smem:$0x3FB5] =	sst s0;
	s0 =	simm.s32 @!p2 $0x0  }
0x16: {  	s3 =	sld [smem:$0x3FDB];
	s0 =	simm.s32 @p2 $0x1  }
0x17: {  	s4 =	simm.s32 $0x1BF5;
	[smem:$0x3FB7] =	sst s0  }
0x18: {  	s0 =	sld [smem:$0x3F9A];
	_ =	swait.ge [sflag:s4], $0x0  }
0x19: {  	s7 =	sld [smem:$0x3F9B]  }
0x1a: {  	s8 =	sadd.s32 $0xFFFFE003, lr  }
0x1b: {  	s9 =	sadd.s32 $0xFFFFFEF7, lr;
	s5 =	simm.s32 $0xFFFFFFFF;
	p2 =	slt.u32 s8, $0xFFFFF086  }
0x1c: {  	p1 =	slt.u32 s9, $0xF7A;
	s5 =	simm.s32 @!p2 $0x0  }
0x1d: {  	s5 =	simm.s32 @p1 $0x1;
	p0 =	seq.s32 s7, s2  }
0x1e: {  	s7 =	smul.u32 @!p0 $0xF7A, s2;
	p2 =	seq.s32 @!p0 s5, $0x0  }
0x1f: {  	s9 =	smul.u32 $0xF7A, s1;
	s8 =	simm.s32 @!p0 $0x1BF5;
	p2 =	por !p2, p0  }
0x20: {  	[sflag:s8] =	ssyncset.s32 @!p0 $0xFFFFF086;
	s6 =	sadd.s32 @!p0 s3, s7;
	s7 =	simm.s32 @!p0 $0x108  }
0x21: {  	s3 =	sadd.s32 s3, s9;
	s6 =	sadd.s32 @!p0 $0x88, s6;
	s7 =	simm.s32 @p2 $0x1082  }
0x22: {  	[simem:s7], [sflag:s8] =	dma.local @!p0 [hbm:s6], $0xF7A  }
0x23: {  	s9 =	sor.u32 $0xD0000000, s2;
	s6 =	simm.s32 $0x108;
	_ =	swait.ge @!p0 [sflag:s8], $0x0  }
0x24: {  	s3 =	sadd.s32 $0x88, s3;
	s6 =	simm.s32 @!p1 $0x1082;
	[sflag:s4] =	ssyncset.s32 $0xFFFFF086  }
0x25: {  	[simem:s6], [sflag:s4] =	dma.local [hbm:s3], $0xF7A  }
0x26: {  	[smem:$0x3F9B] =	sst s1;
	(tag) =	ssettag s2;
	_ =	strace s9  }
0x27: {  	s1 =	sld [smem:$0x3FAB]  }
0x28: {  	s2 =	sld [smem:$0x3FAC]  }
0x29: {  	s4 =	sld [smem:$0x3FAE]  }
0x2a: {  	p0 =	seq.s32 s5, $0x0;
	s5 =	sld [smem:$0x3FAF]  }
0x2b: {  	s6 =	sld [smem:$0x3FB0]  }
0x2c: {  	s7 =	sld [smem:$0x3FB1]  }
0x2d: {  	s3 =	simm.s32 $0x108;
	s8 =	sld [smem:$0x3FB2]  }
0x2e: {  	s3 =	simm.s32 @!p0 $0x1082;
	s9 =	sld [smem:$0x3FB3]  }
0x2f: {  	lr =	sadd.s32 s0, s3;
	s0 =	sld [smem:$0x3FAA]  }
0x30: {  	s3 =	sld [smem:$0x3FAD]  }
0x31: {  	[smem:$0x3FB6] =	sst s10  }
0x32: {  	s10 =	sld [smem:$0x3FB4];
	_ =	sdelay $0x3  }
0x33: {  	p0 =	seq.s32 s10, $0x1;
	s10 =	sld [smem:$0x3FB6];
	_ =	sdelay $0x3  }
0x34: {  	[smem:$0x3FB6] =	sst s10  }
0x35: {  	s10 =	sld [smem:$0x3FB5];
	_ =	sdelay $0x3  }
0x36: {  	p1 =	seq.s32 s10, $0x1;
	s10 =	sld [smem:$0x3FB6];
	_ =	sdelay $0x3  }
0x37: {  	[smem:$0x3FB6] =	sst s10  }
0x38: {  	s10 =	sld [smem:$0x3FB7]  }
0x39: {  	_ = 	snop;
	(pc) =	sbr.ind lr, $3  }
0x3a: {  	_ = 	snop  }
0x3b: {  	_ = 	snop  }
0x3c: {  	p2 =	seq.s32 s10, $0x1;
	s10 =	sld [smem:$0x3FB6]  }
0x3d: {  	_ =	shalt  }
0x3e: {  	_ =	shalt  }
0x3f: {  	_ =	shalt  }
0x40: {  	_ =	shalt  }
0x41: {  	_ =	shalt  }
0x42: {  	_ =	shalt  }
0x43: {  	_ =	shalt  }
0x44: {  	_ =	shalt  }
0x45: {  	_ =	shalt  }
0x46: {  	_ =	shalt  }
0x47: {  	_ =	shalt  }
0x48: {  	_ =	shalt  }
0x49: {  	_ =	shalt  }
0x4a: {  	_ =	shalt  }
0x4b: {  	_ =	shalt  }
0x4c: {  	_ =	shalt  }
0x4d: {  	_ =	shalt  }
0x4e: {  	_ =	shalt  }
0x4f: {  	_ =	shalt  }
0x50: {  	_ =	shalt  }
0x51: {  	_ =	shalt  }
0x52: {  	_ =	shalt  }
0x53: {  	_ =	shalt  }
0x54: {  	_ =	shalt  }
0x55: {  	_ =	shalt  }
0x56: {  	_ =	shalt  }
0x57: {  	_ =	shalt  }
0x58: {  	_ =	shalt  }
0x59: {  	_ =	shalt  }
0x5a: {  	_ =	shalt  }
0x5b: {  	_ =	shalt  }
0x5c: {  	_ =	shalt  }
0x5d: {  	_ =	shalt  }
0x5e: {  	_ =	shalt  }
0x5f: {  	_ =	shalt  }
0x60: {  	_ =	shalt  }
0x61: {  	_ =	shalt  }
0x62: {  	_ =	shalt  }
0x63: {  	_ =	shalt  }
0x64: {  	_ =	shalt  }
0x65: {  	_ =	shalt  }
0x66: {  	_ =	shalt  }
0x67: {  	_ =	shalt  }
0x68: {  	_ =	shalt  }
0x69: {  	_ =	shalt  }
0x6a: {  	_ =	shalt  }
0x6b: {  	_ =	shalt  }
0x6c: {  	_ =	shalt  }
0x6d: {  	_ =	shalt  }
0x6e: {  	_ =	shalt  }
0x6f: {  	_ =	shalt  }
0x70: {  	_ =	shalt  }
0x71: {  	_ =	shalt  }
0x72: {  	_ =	shalt  }
0x73: {  	_ =	shalt  }
0x74: {  	_ =	shalt  }
0x75: {  	_ =	shalt  }
0x76: {  	_ =	shalt  }
0x77: {  	_ =	shalt  }
0x78: {  	_ =	shalt  }
0x79: {  	_ =	shalt  }
0x7a: {  	_ =	shalt  }
0x7b: {  	_ =	shalt  }
0x7c: {  	_ =	shalt  }
0x7d: {  	_ =	shalt  }
0x7e: {  	_ =	shalt  }
0x7f: {  	_ =	shalt  }
0x80: {  	_ =	shalt  }
0x81: {  	_ =	shalt  }
0x82: {  	_ =	shalt  }
0x83: {  	_ =	shalt  }
0x84: {  	_ =	shalt  }
0x85: {  	_ =	shalt  }
0x86: {  	_ =	shalt  }
0x87: {  	_ =	shalt  }
.Lfunc_end0:
.L_simem_size_0:
called_computation.1_lowered:
.L_overlay_start_0:
0x88: {  	s2 =	sld [smem:$0x3FD9]  }
0x89: {  	s3 =	sld [smem:$0x3FFE];
	_ =	sdelay $0x1  }
0x8a: {  	s1 =	srdreg.scid  }
0x8b: {  	s0 =	sand.u32 $0x1, s1  }
0x8c: {  	s16 =	sshll.u32 s0, $0xA;
	s2 =	sadd.s32 s3, s2  }
0x8d: {  	s2 =	sadd.s32 s2, s16  }
0x8e: {  	[smem:$0x3FC2] =	sst s2  }
0x8f: {  	_ = 	snop  }
0x90: {  	(tm) =	ssettm $0x1  }
0x91: {  	s17 =	sld [smem:$0x3FFB];
	_ =	sdelay $0x3  }
0x92: {  	_ =	strace s17  }
0x93: {  	s2 =	sld [smem:$0x3FFC];
	_ =	sdelay $0x3  }
0x94: {  	_ =	strace s2  }
0x95: {  	s2 =	sld [smem:$0x3FFD];
	_ =	sdelay $0x3  }
0x96: {  	_ =	strace s2  }
0x97: {  	_ =	strace $0x8FFFFFFF  }
0x98: {  	s18 =	sld [smem:$0x3FDB];
	_ =	sdelay $0x1  }
0x99: {  	s19 =	simm.s32 $_scs_section_size  }
0x9a: {  	s4 =	simm.s32 $_size__tile_overlayer_lowered;
	s5 =	simm.s32 $_tile_overlayer_lowered  }
0x9b: {  	s22 =	simm.s32 $0x1BFF;
	s21 =	sshll.u32 s5, $0x1;
	s2 =	sadd.s32 s19, s18  }
0x9c: {  	s6 =	simm.s32 $0x0;
	s20 =	sshll.u32 s4, $0x1;
	s4 =	sadd.s32 s21, s2  }
0x9d: {  	[timem:s6], [sflag:s22] =	dma.local [hbm:s4], s20  }
0x9e: {  	_ =	swait.ge [sflag:s22], s20  }
0x9f: {  	s3 =	ssub.s32 $0x0, s20;
	[sflag:s22] =	ssyncset.done $0x0  }
0xa0: {  	[sflag:s22] =	ssyncadd.s32 s3;
	_ =	sdelay $0x1  }
0xa1: {  	s23 =	simm.s32 $0x1B8B  }
0xa2: {  	_ =	swait.ge [sflag:s23], $0x1  }
0xa3: {  	[sflag:s23] =	ssyncset.done $0x0  }
0xa4: {  	s25 =	simm.s32 $0x1B8E;
	s24 =	sld [smem:$0x3FFE];
	[sflag:s23] =	ssyncadd.s32 $0xFFFFFFFF  }
0xa5: {  	s26 =	simm.s32 $execute0_lowered;
	[smem:$0x3FD2] =	sst s25  }
0xa6: {  	s4 =	sshll.u32 s26, $0x1;
	_ =	strace $0x80000049;
	[dreg:$0x1] =	wrdreg $0xFFFFFFFF  }
0xa7: {  	s28 =	simm.s32 $_size_execute0_lowered;
	s2 =	sadd.s32 s2, s4;
	[dreg:$0x0] =	wrdreg $0x0  }
0xa8: {  	s4 =	sshll.u32 s28, $0x1;
	[dreg:$0x2] =	wrdreg s2  }
0xa9: {  	[dreg:$0x3] =	wrdreg s4  }
0xaa: {  	[dreg:$0x4] =	wrdreg $0xC0  }
0xab: {  	_ =	task [dreg:s6], $0x5FFFF  }
0xac: {  	[dreg:$0x1] =	wrdreg $0xFFFFFFFF  }
0xad: {  	[dreg:$0x0] =	wrdreg $0x60  }
0xae: {  	[dreg:$0x2] =	wrdreg s24  }
0xaf: {  	[dreg:$0x3] =	wrdreg $0x90000  }
0xb0: {  	[dreg:$0x4] =	wrdreg $0x9  }
0xb1: {  	_ =	task.clear_ibuf [dreg:s6], $0x5FFFF;
	_ =	strace $0x90000049  }
0xb2: {  	s29 =	simm.s32 $0x9;
	_ =	strace $0x8000004B  }
0xb3: {  	_ =	swait.ge [sflag:s29], $0x1  }
0xb4: {  	[sflag:s29] =	ssyncadd.s32 $0xFFFFFFFF  }
0xb5: {  	_ =	strace $0x9000004B  }
0xb6: {  	_ =	sfence  }
0xb7: {  	s30 =	sld [smem:$0x0];
	_ =	sdelay $0x2  }
0xb8: {  	s31 =	sshll.u32 s1, $0xD;
	s1 =	sshrl.u32 s1, $0x2  }
0xb9: {  	s3 =	sand.u32 $0x4000, s31;
	s1 =	sadd.s32 s1, s30  }
0xba: {  	s0 =	sor.u32 s3, s0;
	s1 =	sshll.u32 s1, $0x11  }
0xbb: {  	s0 =	sor.u32 s1, s0  }
0xbc: {  	s0 =	sadd.s32 $0x8F2B, s0  }
0xbd: {  	[sflag:s0] =	ssyncadd.remote.s32 $0x1  }
0xbe: {  	_ =	sfence.sel $0xFFFF  }
0xbf: {  	[dreg:$0x0] =	wrdreg $0xFFFFFFFF;
	(pc) =	sbr.abs _section_cstart, $3  }
0xc0: {  	[dreg:$0x1] =	wrdreg $0xFFFFFFFF  }
0xc1: {  	_ =	task.clear_ibuf [dreg:s6], $0x2FFFF;
	_ =	strace $0x9FFFFFFF  }
0xc2: {  	(tm) =	ssettm $0x7FFFFFFF  }
0xc3: {  	_ =	shalt  }
tec
execute0_lowered:
.L_overlay_start_1:
0x0: {  	(tag) =	ssettag $0x1  }
0x1: {  	s5 =	rddreg [dreg:$0x0]  }
0x2: {  	s2 =	rddreg [dreg:$0x1]  }
0x3: {  	s0 =	rddreg [dreg:$0x2]  }
0x4: {  	s4 =	srdreg.scid;
	s1 =	stileid.u32;
	s3 =	simm.s32 $0x0  }
0x5: {  	s16 =	simm.s32 $0x2;
	s17 =	simm.s32 $0x2800;
	s18 =	simm.s32 $0x80  }
0x6: {  	s19 =	simm.s32 $0x1;
	s6 =	sand.u32 $0x1, s4;
	s9 =	smul.u32 $0x50000, s1  }
0x7: {  	s29 =	sshll.u32 s1, $0x1;
	[smem:$0x7FF] =	sst s3;
	s10 =	smul.u32 $0x14000, s1  }
0x8: {  	s12 =	sadd.s32 $0x46A00, s5;
	s20 =	sadd.s32 $0x12C000, s2;
	p0 =	seq.s32 s1, $0xF  }
0x9: {  	s4 =	sor.u32 s6, s29;
	_ =	strace $0x8000004A;
	s13 =	smul.u32 $0x138800, s6  }
0xa: {  	s8 =	ssub.s32 $0x2, s6;
	s20 =	sshrl.u32 @p0 s20, $0x3;
	s7 =	smul.u32 $0x500, s4  }
0xb: {  	s4 =	sadd.s32 $0x1F800, s5;
	s30 =	sshrl.u32 s8, $0x1;
	s31 =	sshrl.u32 s9, $0x2  }
0xc: {  	s14 =	ssub.s32 s8, s30;
	s9 =	sadd.s32 s31, s2;
	s15 =	sadd.s32 s10, s13  }
0xd: {  	s13 =	sshrl.u32 s13, $0x3;
	s11 =	sadd.s32 s7, s5;
	s5 =	sadd.s32 s10, s2  }
0xe: {  	s6 =	sadd.s32 $0x4000, s9;
	s7 =	sadd.s32 $0x8000, s9;
	s8 =	sadd.s32 $0xC000, s9  }
0xf: {  	s9 =	sadd.s32 $0x10000, s9;
	s15 =	sshrl.u32 s15, $0x3;
	s13 =	sadd.s32 s12, s13  }
0x10: {  	s14 =	smax.u32 s14, $0x1;
	s10 =	sadd.s32 $0x15800, s11;
	s11 =	sadd.s32 $0x1A00, s11  }
0x11: {  	v0 =	vimm.f32 $0.0e+00;
	s12 =	sadd.s32 s12, s15;
	s13 =	sadd.s32 $0x25800, s13;
	s15 =	simm.s32 $0x5000  }
.LBB2_1:
0x12: {  	s21 =	simm.s32 $0x0;
	s22 =	simm.s32 $0x200  }
.LBB2_2:
0x13: {  	p1 =	sne.s32 s22, $0xFE00;
	[tilespmem:s21+$0x5070] =	vst v0  }
0x14: {  	[tilespmem:s21+$0x5000] =	vst v0  }
0x15: {  	[tilespmem:s21+$0x5010] =	vst v0  }
.Ltmp0:
0x16: {  	[tilespmem:s21+$0x5020] =	vst v0;
	(pc) =	sbr.rel @p1 .LBB2_2-.Ltmp0, $4  }
0x17: {  	[tilespmem:s21+$0x5030] =	vst v0  }
0x18: {  	[tilespmem:s21+$0x5040] =	vst v0  }
0x19: {  	[tilespmem:s21+$0x5050] =	vst v0  }
0x1a: {  	[tilespmem:s21+$0x5060] =	vst v0;
	s21 =	sshra.s32 s22, $0x2;
	s22 =	sadd.s32 $0x200, s22  }
0x1b: {  	[tilespmem:s21+$0x5070] =	vst v0  }
0x1c: {  	[tilespmem:s21+$0x5000] =	vst v0  }
0x1d: {  	[tilespmem:s21+$0x5010] =	vst v0  }
0x1e: {  	[tilespmem:s21+$0x5020] =	vst v0  }
0x1f: {  	[tilespmem:s21+$0x5030] =	vst v0  }
0x20: {  	[tilespmem:s21+$0x5040] =	vst v0  }
0x21: {  	[tilespmem:s21+$0x5050] =	vst v0  }
0x22: {  	[tilespmem:s21+$0x5060] =	vst v0  }
0x23: {  	[spmem:s5] =	stream.linear.scatter [tilespmem:s15], [sflag:$0x2], $0x4000, $0x38;
	[tilespmem:$0x1D000] =	vst v63  }
0x24: {  	_ =	swait.ge [sflag:s16], $0x4000  }
0x25: {  	[sflag:s16] =	ssyncset.done $0x0  }
0x26: {  	[sflag:s16] =	ssyncadd.s32 $0xFFFFC000  }
0x27: {  	[spmem:s6] =	stream.linear.scatter [tilespmem:s15], [sflag:$0x2], $0x4000, $0x38;
	[tilespmem:$0x1D000] =	vst v63  }
0x28: {  	_ =	swait.ge [sflag:s16], $0x4000  }
0x29: {  	[sflag:s16] =	ssyncset.done $0x0  }
0x2a: {  	[sflag:s16] =	ssyncadd.s32 $0xFFFFC000  }
0x2b: {  	[spmem:s7] =	stream.linear.scatter [tilespmem:s15], [sflag:$0x2], $0x4000, $0x38;
	[tilespmem:$0x1D000] =	vst v63  }
0x2c: {  	_ =	swait.ge [sflag:s16], $0x4000  }
0x2d: {  	[sflag:s16] =	ssyncset.done $0x0  }
0x2e: {  	[sflag:s16] =	ssyncadd.s32 $0xFFFFC000  }
0x2f: {  	[spmem:s8] =	stream.linear.scatter [tilespmem:s15], [sflag:$0x2], $0x4000, $0x38;
	[tilespmem:$0x1D000] =	vst v63  }
0x30: {  	_ =	swait.ge [sflag:s16], $0x4000  }
0x31: {  	[sflag:s16] =	ssyncset.done $0x0  }
0x32: {  	[sflag:s16] =	ssyncadd.s32 $0xFFFFC000  }
0x33: {  	[spmem:s9] =	stream.linear.scatter [tilespmem:s15], [sflag:$0x2], $0x4000, $0x38;
	[tilespmem:$0x1D000] =	vst v63  }
0x34: {  	_ =	swait.ge [sflag:s16], $0x4000  }
0x35: {  	[sflag:s16] =	ssyncset.done $0x0  }
0x36: {  	s29 =	simm.s32 $0x0;
	[sflag:s16] =	ssyncadd.s32 $0xFFFFC000  }
0x37: {  	[tilespmem:s29], [sflag:$0x2] =	stream.linear.gather [hbm4b:s10+s29], $0x2800, $0x38;
	[tilespmem:$0x1D000] =	vst v63  }
0x38: {  	_ =	swait.ge [sflag:s16], $0x2800  }
0x39: {  	[sflag:s16] =	ssyncset.done $0x0  }
0x3a: {  	[sflag:s16] =	ssyncadd.s32 $0xFFFFD800  }
0x3b: {  	[tilespmem:s17], [sflag:$0x2] =	stream.linear.gather [hbm4b:s11+s29], $0x2800, $0x38;
	[tilespmem:$0x1D000] =	vst v63  }
0x3c: {  	_ =	swait.ge [sflag:s16], $0x2800  }
0x3d: {  	[sflag:s16] =	ssyncset.done $0x0  }
0x3e: {  	[sflag:s16] =	ssyncadd.s32 $0xFFFFD800  }
0x3f: {  	s30 =	simm.s32 $0x0;
	[bflag:$0x0] =	sbarrier.arrive $0xFFFF  }
0x40: {  	[tilespmem:s15], [sflag:$0x1] =	stream.indirect.gather [hbm4b:s4+s18], $0x80, s30, s18, $0xb8;
	[tilespmem:$0x1D000] =	vst v63  }
0x41: {  	_ =	swait.ge [sflag:s19], $0x4000  }
0x42: {  	[sflag:s19] =	ssyncset.done $0x0  }
0x43: {  	s31 =	simm.s32 $0x2800;
	[sflag:s19] =	ssyncadd.s32 $0xFFFFC000  }
0x44: {  	[spmem:s2] =	stream.indirect.scatter.add.f32 [tilespmem:s15], [sflag:$0x2], $0x80, s31, s18, $0xb8;
	[tilespmem:$0x1D000] =	vst v63  }
0x45: {  	_ =	swait.ge [sflag:s16], $0x4000  }
0x46: {  	s21 =	simm.s32 $0x200;
	s22 =	simm.s32 $0x400;
	[sflag:s16] =	ssyncset.done $0x0  }
.LBB2_4:
0x47: {  	s23 =	sshra.s32 s21, $0x2  }
0x48: {  	[sflag:s16] =	ssyncadd.s32 $0xFFFFC000;
	s21 =	smov.u32 s22;
	s24 =	sadd.s32 $0x200, s22  }
0x49: {  	[tilespmem:s15], [sflag:$0x1] =	stream.indirect.gather [hbm4b:s4+s18], $0x80, s23, s18, $0xb8;
	[tilespmem:$0x1D000] =	vst v63  }
0x4a: {  	p1 =	sne.s32 s22, $0x9E00;
	_ =	swait.ge [sflag:s19], $0x4000  }
.Ltmp1:
0x4b: {  	[sflag:s19] =	ssyncset.done $0x0;
	(pc) =	sbr.rel @p1 .LBB2_4-.Ltmp1, $4  }
0x4c: {  	s22 =	sadd.s32 $0x2800, s23;
	[sflag:s19] =	ssyncadd.s32 $0xFFFFC000  }
0x4d: {  	[spmem:s2] =	stream.indirect.scatter.add.f32 [tilespmem:s15], [sflag:$0x2], $0x80, s22, s18, $0xb8;
	[tilespmem:$0x1D000] =	vst v63  }
0x4e: {  	_ =	swait.ge [sflag:s16], $0x4000  }
0x4f: {  	s22 =	smov.u32 s24;
	[sflag:s16] =	ssyncset.done $0x0  }
0x50: {  	s21 =	sshra.s32 s21, $0x2;
	[sflag:s16] =	ssyncadd.s32 $0xFFFFC000  }
0x51: {  	[tilespmem:s15], [sflag:$0x1] =	stream.indirect.gather [hbm4b:s4+s18], $0x80, s21, s18, $0xb8;
	[tilespmem:$0x1D000] =	vst v63  }
0x52: {  	_ =	swait.ge [sflag:s19], $0x4000  }
0x53: {  	[sflag:s19] =	ssyncset.done $0x0  }
0x54: {  	s21 =	sadd.s32 $0x2800, s21;
	[sflag:s19] =	ssyncadd.s32 $0xFFFFC000  }
0x55: {  	[spmem:s2] =	stream.indirect.scatter.add.f32 [tilespmem:s15], [sflag:$0x2], $0x80, s21, s18, $0xb8;
	[tilespmem:$0x1D000] =	vst v63  }
0x56: {  	_ =	swait.ge [sflag:s16], $0x4000  }
0x57: {  	[sflag:s16] =	ssyncset.done $0x0  }
0x58: {  	[sflag:s16] =	ssyncadd.s32 $0xFFFFC000  }
0x59: {  	s21 =	simm.s32 @p0 $0x1FC2;
	[bflag:$0x0] =	sbarrier.arrive $0xFFFF  }
0x5a: {  	[hbm:s13], [sflag:s21] =	dma.local @p0 [spmem:s20], $0x1900  }
0x5b: {  	s21 =	simm.s32 @p0 $0x2  }
0x5c: {  	s3 =	sadd.s32 $0x1, s3;
	_ =	swait.ge @p0 [sflag:s21], $0x1900  }
0x5d: {  	s22 =	sshll.u32 @!p0 s1, $0x6;
	p1 =	sne.s32 s3, s14;
	[sflag:s21] =	ssyncset.done @p0 $0x0  }
0x5e: {  	[sflag:s21] =	ssyncadd.s32 @p0 $0xFFFFE700;
	s21 =	sor.u32 @!p0 $0x1C02, s22;
	s22 =	sshrl.u32 @!p0 s5, $0x3  }
0x5f: {  	[hbm:s12], [sflag:s21] =	dma.local @!p0 [spmem:s22], $0x2800  }
.Ltmp2:
0x60: {  	_ = 	snop;
	(pc) =	sbr.rel @p1 .LBB2_1-.Ltmp2, $4  }
0x61: {  	s21 =	simm.s32 @!p0 $0x2  }
0x62: {  	_ =	swait.ge @!p0 [sflag:s21], $0x2800  }
0x63: {  	[sflag:s21] =	ssyncset.done @!p0 $0x0  }
0x64: {  	[sflag:s21] =	ssyncadd.s32 @!p0 $0xFFFFD800  }
0x65: {  	_ =	sfence.sel $0x180000  }
0x66: {  	[bflag:$0x0] =	sbarrier.arrive $0xFFFF  }
0x67: {  	p0 =	sne.s32 s1, $0x0;
	_ =	strace $0x9000004A  }
0x68: {  	s0 =	sadd.s32 @!p0 $0x100000, s0;
	[bflag:$0x2] =	sbarrier.arrive $0xFFFF  }
0x69: {  	[sflag:s0] =	ssyncadd.tile.s32 @!p0 $0x1;
	_ =	shalt  }
.Lfunc_end2:
_tile_overlayer_lowered:
.L_overlay_start_2:
0x6a: {  	(tag) =	ssettag $0x2  }
0x6b: {  	s0 =	rddreg [dreg:$0x0];
	s2 =	stileid.u32  }
0x6c: {  	s1 =	rddreg [dreg:$0x1];
	p0 =	sne.s32 s2, $0x0  }
0x6d: {  	s3 =	rddreg [dreg:$0x2];
	[bflag:$0x3] =	sbarrier.arrive $0xFFFF;
	s2 =	simm.s32 @!p0 $0x1C02  }
0x6e: {  	[timem:s3], [sflag:s2] =	dma.local @!p0 [hbm:s0], s1  }
0x6f: {  	s0 =	simm.s32 @!p0 $0x2  }
0x70: {  	_ =	swait.ge @!p0 [sflag:s0], s1  }
0x71: {  	s1 =	ssub.s32 @!p0 $0x0, s1;
	[sflag:s0] =	ssyncset.done @!p0 $0x0  }
0x72: {  	[sflag:s0] =	ssyncadd.s32 @!p0 s1  }
0x73: {  	[bflag:$0x3] =	sbarrier.arrive $0xFFFF  }
0x74: {  	_ =	shalt  }

// kernel: kernel.14.cloned.1.call-start
scs
__scs_entry_jumppad:
0x0: {  	(pc) =	sbr.rel $0x88, $3  }
0x1: {  	(tag) =	ssettag $0x0;
	lr =	simm.s32 $0x1  }
0x2: {  	[smem:$0x3F9B] =	sst lr;
	_ =	strace $0xD0000000  }
0x3: {  	_ = 	snop  }
0x4: {  	_ = 	snop  }
0x5: {  	_ = 	snop  }
0x6: {  	_ = 	snop  }
0x7: {  	_ = 	snop  }
__scs_overlays_trampoline_lowered:
0x8: {  	[smem:$0x3FAA] =	sst s0  }
0x9: {  	[smem:$0x3FAB] =	sst s1  }
0xa: {  	[smem:$0x3FAC] =	sst s2  }
0xb: {  	[smem:$0x3FAD] =	sst s3  }
0xc: {  	[smem:$0x3FAE] =	sst s4  }
0xd: {  	[smem:$0x3FAF] =	sst s5  }
0xe: {  	[smem:$0x3FB0] =	sst s6  }
0xf: {  	[smem:$0x3FB1] =	sst s7  }
0x10: {  	[smem:$0x3FB2] =	sst s8  }
0x11: {  	[smem:$0x3FB3] =	sst s9;
	s0 =	simm.s32 @!p0 $0x0  }
0x12: {  	s1 =	sld [smem:$0x3F99];
	s0 =	simm.s32 @p0 $0x1  }
0x13: {  	[smem:$0x3FB4] =	sst s0;
	s0 =	simm.s32 @!p1 $0x0  }
0x14: {  	s2 =	sld [smem:$0x3F98];
	s0 =	simm.s32 @p1 $0x1  }
0x15: {  	[smem:$0x3FB5] =	sst s0;
	s0 =	simm.s32 @!p2 $0x0  }
0x16: {  	s3 =	sld [smem:$0x3FDB];
	s0 =	simm.s32 @p2 $0x1  }
0x17: {  	s4 =	simm.s32 $0x1BF5;
	[smem:$0x3FB7] =	sst s0  }
0x18: {  	s0 =	sld [smem:$0x3F9A];
	_ =	swait.ge [sflag:s4], $0x0  }
0x19: {  	s7 =	sld [smem:$0x3F9B]  }
0x1a: {  	s8 =	sadd.s32 $0xFFFFE003, lr  }
0x1b: {  	s9 =	sadd.s32 $0xFFFFFEF7, lr;
	s5 =	simm.s32 $0xFFFFFFFF;
	p2 =	slt.u32 s8, $0xFFFFF086  }
0x1c: {  	p1 =	slt.u32 s9, $0xF7A;
	s5 =	simm.s32 @!p2 $0x0  }
0x1d: {  	s5 =	simm.s32 @p1 $0x1;
	p0 =	seq.s32 s7, s2  }
0x1e: {  	s7 =	smul.u32 @!p0 $0xF7A, s2;
	p2 =	seq.s32 @!p0 s5, $0x0  }
0x1f: {  	s9 =	smul.u32 $0xF7A, s1;
	s8 =	simm.s32 @!p0 $0x1BF5;
	p2 =	por !p2, p0  }
0x20: {  	[sflag:s8] =	ssyncset.s32 @!p0 $0xFFFFF086;
	s6 =	sadd.s32 @!p0 s3, s7;
	s7 =	simm.s32 @!p0 $0x108  }
0x21: {  	s3 =	sadd.s32 s3, s9;
	s6 =	sadd.s32 @!p0 $0x88, s6;
	s7 =	simm.s32 @p2 $0x1082  }
0x22: {  	[simem:s7], [sflag:s8] =	dma.local @!p0 [hbm:s6], $0xF7A  }
0x23: {  	s9 =	sor.u32 $0xD0000000, s2;
	s6 =	simm.s32 $0x108;
	_ =	swait.ge @!p0 [sflag:s8], $0x0  }
0x24: {  	s3 =	sadd.s32 $0x88, s3;
	s6 =	simm.s32 @!p1 $0x1082;
	[sflag:s4] =	ssyncset.s32 $0xFFFFF086  }
0x25: {  	[simem:s6], [sflag:s4] =	dma.local [hbm:s3], $0xF7A  }
0x26: {  	[smem:$0x3F9B] =	sst s1;
	(tag) =	ssettag s2;
	_ =	strace s9  }
0x27: {  	s1 =	sld [smem:$0x3FAB]  }
0x28: {  	s2 =	sld [smem:$0x3FAC]  }
0x29: {  	s4 =	sld [smem:$0x3FAE]  }
0x2a: {  	p0 =	seq.s32 s5, $0x0;
	s5 =	sld [smem:$0x3FAF]  }
0x2b: {  	s6 =	sld [smem:$0x3FB0]  }
0x2c: {  	s7 =	sld [smem:$0x3FB1]  }
0x2d: {  	s3 =	simm.s32 $0x108;
	s8 =	sld [smem:$0x3FB2]  }
0x2e: {  	s3 =	simm.s32 @!p0 $0x1082;
	s9 =	sld [smem:$0x3FB3]  }
0x2f: {  	lr =	sadd.s32 s0, s3;
	s0 =	sld [smem:$0x3FAA]  }
0x30: {  	s3 =	sld [smem:$0x3FAD]  }
0x31: {  	[smem:$0x3FB6] =	sst s10  }
0x32: {  	s10 =	sld [smem:$0x3FB4];
	_ =	sdelay $0x3  }
0x33: {  	p0 =	seq.s32 s10, $0x1;
	s10 =	sld [smem:$0x3FB6];
	_ =	sdelay $0x3  }
0x34: {  	[smem:$0x3FB6] =	sst s10  }
0x35: {  	s10 =	sld [smem:$0x3FB5];
	_ =	sdelay $0x3  }
0x36: {  	p1 =	seq.s32 s10, $0x1;
	s10 =	sld [smem:$0x3FB6];
	_ =	sdelay $0x3  }
0x37: {  	[smem:$0x3FB6] =	sst s10  }
0x38: {  	s10 =	sld [smem:$0x3FB7]  }
0x39: {  	_ = 	snop;
	(pc) =	sbr.ind lr, $3  }
0x3a: {  	_ = 	snop  }
0x3b: {  	_ = 	snop  }
0x3c: {  	p2 =	seq.s32 s10, $0x1;
	s10 =	sld [smem:$0x3FB6]  }
0x3d: {  	_ =	shalt  }
0x3e: {  	_ =	shalt  }
0x3f: {  	_ =	shalt  }
0x40: {  	_ =	shalt  }
0x41: {  	_ =	shalt  }
0x42: {  	_ =	shalt  }
0x43: {  	_ =	shalt  }
0x44: {  	_ =	shalt  }
0x45: {  	_ =	shalt  }
0x46: {  	_ =	shalt  }
0x47: {  	_ =	shalt  }
0x48: {  	_ =	shalt  }
0x49: {  	_ =	shalt  }
0x4a: {  	_ =	shalt  }
0x4b: {  	_ =	shalt  }
0x4c: {  	_ =	shalt  }
0x4d: {  	_ =	shalt  }
0x4e: {  	_ =	shalt  }
0x4f: {  	_ =	shalt  }
0x50: {  	_ =	shalt  }
0x51: {  	_ =	shalt  }
0x52: {  	_ =	shalt  }
0x53: {  	_ =	shalt  }
0x54: {  	_ =	shalt  }
0x55: {  	_ =	shalt  }
0x56: {  	_ =	shalt  }
0x57: {  	_ =	shalt  }
0x58: {  	_ =	shalt  }
0x59: {  	_ =	shalt  }
0x5a: {  	_ =	shalt  }
0x5b: {  	_ =	shalt  }
0x5c: {  	_ =	shalt  }
0x5d: {  	_ =	shalt  }
0x5e: {  	_ =	shalt  }
0x5f: {  	_ =	shalt  }
0x60: {  	_ =	shalt  }
0x61: {  	_ =	shalt  }
0x62: {  	_ =	shalt  }
0x63: {  	_ =	shalt  }
0x64: {  	_ =	shalt  }
0x65: {  	_ =	shalt  }
0x66: {  	_ =	shalt  }
0x67: {  	_ =	shalt  }
0x68: {  	_ =	shalt  }
0x69: {  	_ =	shalt  }
0x6a: {  	_ =	shalt  }
0x6b: {  	_ =	shalt  }
0x6c: {  	_ =	shalt  }
0x6d: {  	_ =	shalt  }
0x6e: {  	_ =	shalt  }
0x6f: {  	_ =	shalt  }
0x70: {  	_ =	shalt  }
0x71: {  	_ =	shalt  }
0x72: {  	_ =	shalt  }
0x73: {  	_ =	shalt  }
0x74: {  	_ =	shalt  }
0x75: {  	_ =	shalt  }
0x76: {  	_ =	shalt  }
0x77: {  	_ =	shalt  }
0x78: {  	_ =	shalt  }
0x79: {  	_ =	shalt  }
0x7a: {  	_ =	shalt  }
0x7b: {  	_ =	shalt  }
0x7c: {  	_ =	shalt  }
0x7d: {  	_ =	shalt  }
0x7e: {  	_ =	shalt  }
0x7f: {  	_ =	shalt  }
0x80: {  	_ =	shalt  }
0x81: {  	_ =	shalt  }
0x82: {  	_ =	shalt  }
0x83: {  	_ =	shalt  }
0x84: {  	_ =	shalt  }
0x85: {  	_ =	shalt  }
0x86: {  	_ =	shalt  }
0x87: {  	_ =	shalt  }
.Lfunc_end0:
.L_simem_size_0:
called_computation.2_lowered:
.L_overlay_start_0:
0x88: {  	s2 =	sld [smem:$0x3FD9]  }
0x89: {  	s3 =	sld [smem:$0x3FFE];
	_ =	sdelay $0x1  }
0x8a: {  	s1 =	srdreg.scid  }
0x8b: {  	s0 =	sand.u32 $0x1, s1  }
0x8c: {  	s16 =	sshll.u32 s0, $0xA;
	s2 =	sadd.s32 s3, s2  }
0x8d: {  	s2 =	sadd.s32 s2, s16  }
0x8e: {  	[smem:$0x3FC2] =	sst s2  }
0x8f: {  	_ = 	snop  }
0x90: {  	(tm) =	ssettm $0x1  }
0x91: {  	s17 =	sld [smem:$0x3FFB];
	_ =	sdelay $0x3  }
0x92: {  	_ =	strace s17  }
0x93: {  	s2 =	sld [smem:$0x3FFC];
	_ =	sdelay $0x3  }
0x94: {  	_ =	strace s2  }
0x95: {  	s2 =	sld [smem:$0x3FFD];
	_ =	sdelay $0x3  }
0x96: {  	_ =	strace s2  }
0x97: {  	_ =	strace $0x8FFFFFFF  }
0x98: {  	s18 =	sld [smem:$0x3FDB];
	_ =	sdelay $0x1  }
0x99: {  	s19 =	simm.s32 $_scs_section_size  }
0x9a: {  	s4 =	simm.s32 $_size__tile_overlayer_lowered;
	s5 =	simm.s32 $_tile_overlayer_lowered  }
0x9b: {  	s22 =	simm.s32 $0x1BFF;
	s21 =	sshll.u32 s5, $0x1;
	s2 =	sadd.s32 s19, s18  }
0x9c: {  	s6 =	simm.s32 $0x0;
	s20 =	sshll.u32 s4, $0x1;
	s4 =	sadd.s32 s21, s2  }
0x9d: {  	[timem:s6], [sflag:s22] =	dma.local [hbm:s4], s20  }
0x9e: {  	_ =	swait.ge [sflag:s22], s20  }
0x9f: {  	s3 =	ssub.s32 $0x0, s20;
	[sflag:s22] =	ssyncset.done $0x0  }
0xa0: {  	[sflag:s22] =	ssyncadd.s32 s3;
	_ =	sdelay $0x1  }
0xa1: {  	s23 =	simm.s32 $0x1B8B  }
0xa2: {  	_ =	swait.ge [sflag:s23], $0x1  }
0xa3: {  	[sflag:s23] =	ssyncset.done $0x0  }
0xa4: {  	s25 =	simm.s32 $0x1B8E;
	s24 =	sld [smem:$0x3FFE];
	[sflag:s23] =	ssyncadd.s32 $0xFFFFFFFF  }
0xa5: {  	s26 =	simm.s32 $execute0_lowered;
	[smem:$0x3FD2] =	sst s25  }
0xa6: {  	s4 =	sshll.u32 s26, $0x1;
	_ =	strace $0x8000004C;
	[dreg:$0x1] =	wrdreg $0xFFFFFFFF  }
0xa7: {  	s28 =	simm.s32 $_size_execute0_lowered;
	s2 =	sadd.s32 s2, s4;
	[dreg:$0x0] =	wrdreg $0x0  }
0xa8: {  	s4 =	sshll.u32 s28, $0x1;
	[dreg:$0x2] =	wrdreg s2  }
0xa9: {  	[dreg:$0x3] =	wrdreg s4  }
0xaa: {  	[dreg:$0x4] =	wrdreg $0xC0  }
0xab: {  	_ =	task [dreg:s6], $0x5FFFF  }
0xac: {  	[dreg:$0x1] =	wrdreg $0xFFFFFFFF  }
0xad: {  	[dreg:$0x0] =	wrdreg $0x60  }
0xae: {  	[dreg:$0x2] =	wrdreg s24  }
0xaf: {  	[dreg:$0x3] =	wrdreg $0x60000  }
0xb0: {  	[dreg:$0x4] =	wrdreg $0x9  }
0xb1: {  	_ =	task.clear_ibuf [dreg:s6], $0x5FFFF;
	_ =	strace $0x9000004C  }
0xb2: {  	s29 =	simm.s32 $0x9;
	_ =	strace $0x8000004E  }
0xb3: {  	_ =	swait.ge [sflag:s29], $0x1  }
0xb4: {  	[sflag:s29] =	ssyncadd.s32 $0xFFFFFFFF  }
0xb5: {  	_ =	strace $0x9000004E  }
0xb6: {  	_ =	sfence  }
0xb7: {  	s30 =	sld [smem:$0x0];
	_ =	sdelay $0x2  }
0xb8: {  	s31 =	sshll.u32 s1, $0xD;
	s1 =	sshrl.u32 s1, $0x2  }
0xb9: {  	s3 =	sand.u32 $0x4000, s31;
	s1 =	sadd.s32 s1, s30  }
0xba: {  	s0 =	sor.u32 s3, s0;
	s1 =	sshll.u32 s1, $0x11  }
0xbb: {  	s0 =	sor.u32 s1, s0  }
0xbc: {  	s0 =	sadd.s32 $0x8F2B, s0  }
0xbd: {  	[sflag:s0] =	ssyncadd.remote.s32 $0x1  }
0xbe: {  	_ =	sfence.sel $0xFFFF  }
0xbf: {  	[dreg:$0x0] =	wrdreg $0xFFFFFFFF;
	(pc) =	sbr.abs _section_cstart, $3  }
0xc0: {  	[dreg:$0x1] =	wrdreg $0xFFFFFFFF  }
0xc1: {  	_ =	task.clear_ibuf [dreg:s6], $0x2FFFF;
	_ =	strace $0x9FFFFFFF  }
0xc2: {  	(tm) =	ssettm $0x7FFFFFFF  }
0xc3: {  	_ =	shalt  }
tec
execute0_lowered:
.L_overlay_start_1:
0x0: {  	(tag) =	ssettag $0x1  }
0x1: {  	s5 =	rddreg [dreg:$0x0];
	s1 =	srdreg.scid  }
0x2: {  	s0 =	stileid.u32;
	s2 =	rddreg [dreg:$0x1]  }
0x3: {  	s3 =	simm.s32 $0x0;
	s16 =	simm.s32 $0x2;
	s17 =	simm.s32 $0x2800  }
0x4: {  	s18 =	simm.s32 $0x80;
	s19 =	simm.s32 $0x1;
	s20 =	simm.s32 $0x5800  }
0x5: {  	s21 =	simm.s32 $0x2780;
	s22 =	simm.s32 $0x4F00;
	s23 =	simm.s32 $0x4F80  }
0x6: {  	s7 =	sand.u32 $0x1, s1;
	s1 =	rddreg [dreg:$0x2];
	s8 =	smul.u32 $0xA000, s0  }
0x7: {  	s4 =	sshll.u32 s0, $0x1;
	[smem:$0x7FF] =	sst s3;
	s12 =	smul.u32 $0x2800, s0  }
0x8: {  	s13 =	sadd.s32 $0x1F800, s5;
	s24 =	sadd.s32 $0x25800, s2;
	p0 =	seq.s32 s0, $0xF  }
0x9: {  	s4 =	sor.u32 s7, s4;
	_ =	strace $0x8000004D;
	s15 =	smul.u32 $0x27100, s7  }
0xa: {  	s30 =	ssub.s32 $0x2, s7;
	s24 =	sshrl.u32 @p0 s24, $0x3;
	s6 =	smul.u32 $0x500, s4  }
0xb: {  	s4 =	sadd.s32 $0xBA00, s5;
	s9 =	sshrl.u32 s30, $0x1;
	s8 =	sshrl.u32 s8, $0x2  }
0xc: {  	s14 =	ssub.s32 s30, s9;
	s31 =	sadd.s32 s8, s2;
	s11 =	sadd.s32 s6, s5  }
0xd: {  	s5 =	sadd.s32 s12, s2;
	s6 =	sadd.s32 $0x800, s31;
	s7 =	sadd.s32 $0x1000, s31  }
0xe: {  	s8 =	sadd.s32 $0x1800, s31;
	s9 =	sadd.s32 $0x2000, s31;
	s12 =	sadd.s32 s12, s15  }
0xf: {  	s15 =	sshrl.u32 s15, $0x3;
	s14 =	smax.u32 s14, $0x1;
	s10 =	sadd.s32 $0x15800, s11  }
0x10: {  	s11 =	sadd.s32 $0x1A00, s11;
	s12 =	sshrl.u32 s12, $0x3;
	s15 =	sadd.s32 s13, s15  }
0x11: {  	v0 =	vimm.f32 $0.0e+00;
	s12 =	sadd.s32 s13, s12;
	s13 =	sadd.s32 $0x4B00, s15;
	s15 =	simm.s32 $0x5000  }
.LBB2_1:
0x12: {  	s25 =	simm.s32 $0x40;
	s26 =	simm.s32 $0x0  }
.LBB2_2:
0x13: {  	p1 =	sne.s32 s25, $0x1FC0;
	[tilespmem:s26+$0x5000] =	vst v0;
	s26 =	smov.u32 s25;
	s25 =	sadd.s32 $0x40, s25  }
.Ltmp0:
0x14: {  	(pc) =	sbr.rel @p1 .LBB2_2-.Ltmp0, $2  }
0x15: {  	_ =	sdelay $0x2  }
0x16: {  	s26 =	sshra.s32 s26, $0x2  }
0x17: {  	[tilespmem:s26+$0x5000] =	vst v0  }
0x18: {  	[spmem:s5] =	stream.linear.scatter [tilespmem:s15], [sflag:$0x2], $0x800, $0x38;
	[tilespmem:$0x8800] =	vst v63  }
0x19: {  	_ =	swait.ge [sflag:s16], $0x800  }
0x1a: {  	[sflag:s16] =	ssyncset.done $0x0  }
0x1b: {  	[sflag:s16] =	ssyncadd.s32 $0xFFFFF800  }
0x1c: {  	[spmem:s6] =	stream.linear.scatter [tilespmem:s15], [sflag:$0x2], $0x800, $0x38;
	[tilespmem:$0x8800] =	vst v63  }
0x1d: {  	_ =	swait.ge [sflag:s16], $0x800  }
0x1e: {  	[sflag:s16] =	ssyncset.done $0x0  }
0x1f: {  	[sflag:s16] =	ssyncadd.s32 $0xFFFFF800  }
0x20: {  	[spmem:s7] =	stream.linear.scatter [tilespmem:s15], [sflag:$0x2], $0x800, $0x38;
	[tilespmem:$0x8800] =	vst v63  }
0x21: {  	_ =	swait.ge [sflag:s16], $0x800  }
0x22: {  	[sflag:s16] =	ssyncset.done $0x0  }
0x23: {  	[sflag:s16] =	ssyncadd.s32 $0xFFFFF800  }
0x24: {  	[spmem:s8] =	stream.linear.scatter [tilespmem:s15], [sflag:$0x2], $0x800, $0x38;
	[tilespmem:$0x8800] =	vst v63  }
0x25: {  	_ =	swait.ge [sflag:s16], $0x800  }
0x26: {  	[sflag:s16] =	ssyncset.done $0x0  }
0x27: {  	[sflag:s16] =	ssyncadd.s32 $0xFFFFF800  }
0x28: {  	[spmem:s9] =	stream.linear.scatter [tilespmem:s15], [sflag:$0x2], $0x800, $0x38;
	[tilespmem:$0x8800] =	vst v63  }
0x29: {  	_ =	swait.ge [sflag:s16], $0x800  }
0x2a: {  	[sflag:s16] =	ssyncset.done $0x0  }
0x2b: {  	s25 =	simm.s32 $0x0;
	[sflag:s16] =	ssyncadd.s32 $0xFFFFF800  }
0x2c: {  	[tilespmem:s25], [sflag:$0x2] =	stream.linear.gather [hbm4b:s10+s25], $0x2800, $0x38;
	[tilespmem:$0x8800] =	vst v63  }
0x2d: {  	_ =	swait.ge [sflag:s16], $0x2800  }
0x2e: {  	[sflag:s16] =	ssyncset.done $0x0  }
0x2f: {  	[sflag:s16] =	ssyncadd.s32 $0xFFFFD800  }
0x30: {  	[tilespmem:s17], [sflag:$0x2] =	stream.linear.gather [hbm4b:s11+s25], $0x2800, $0x38;
	[tilespmem:$0x8800] =	vst v63  }
0x31: {  	_ =	swait.ge [sflag:s16], $0x2800  }
0x32: {  	[sflag:s16] =	ssyncset.done $0x0  }
0x33: {  	[sflag:s16] =	ssyncadd.s32 $0xFFFFD800  }
0x34: {  	[bflag:$0x0] =	sbarrier.arrive $0xFFFF  }
0x35: {  	[tilespmem:s15], [sflag:$0x1] =	stream.indirect.gather [hbm4b:s4+s18], $0x10, s25, s18, $0xb8;
	[tilespmem:$0x8800] =	vst v63  }
0x36: {  	_ =	swait.ge [sflag:s19], $0x800  }
0x37: {  	[sflag:s19] =	ssyncset.done $0x0  }
0x38: {  	s28 =	simm.s32 $0x80;
	[sflag:s19] =	ssyncadd.s32 $0xFFFFF800  }
0x39: {  	[tilespmem:s20], [sflag:$0x1] =	stream.indirect.gather [hbm4b:s4+s18], $0x10, s28, s18, $0xb8;
	[tilespmem:$0x8800] =	vst v63  }
0x3a: {  	s29 =	simm.s32 $0x2800  }
0x3b: {  	[spmem:s2] =	stream.indirect.scatter.add.f32 [tilespmem:s15], [sflag:$0x2], $0x10, s29, s18, $0xb8;
	[tilespmem:$0x8800] =	vst v63  }
0x3c: {  	_ =	swait.ge [sflag:s16], $0x800  }
0x3d: {  	[sflag:s16] =	ssyncset.done $0x0  }
0x3e: {  	[sflag:s16] =	ssyncadd.s32 $0xFFFFF800  }
0x3f: {  	_ =	swait.ge [sflag:s19], $0x800  }
0x40: {  	[sflag:s19] =	ssyncset.done $0x0  }
0x41: {  	s30 =	simm.s32 $0x100;
	[sflag:s19] =	ssyncadd.s32 $0xFFFFF800  }
0x42: {  	[tilespmem:s15], [sflag:$0x1] =	stream.indirect.gather [hbm4b:s4+s18], $0x10, s30, s18, $0xb8;
	[tilespmem:$0x8800] =	vst v63  }
0x43: {  	s31 =	simm.s32 $0x2880  }
0x44: {  	[spmem:s2] =	stream.indirect.scatter.add.f32 [tilespmem:s20], [sflag:$0x2], $0x10, s31, s18, $0xb8;
	[tilespmem:$0x8800] =	vst v63  }
0x45: {  	_ =	swait.ge [sflag:s16], $0x800  }
0x46: {  	s25 =	simm.s32 $0x400;
	[sflag:s16] =	ssyncset.done $0x0  }
.LBB2_4:
0x47: {  	p1 =	sne.s32 s25, $0x9800  }
0x48: {  	[sflag:s16] =	ssyncadd.s32 $0xFFFFF800;
	s26 =	smov.u32 s25;
	s25 =	sadd.s32 $0x400, s25  }
0x49: {  	_ = 	snop  }
0x4a: {  	_ =	swait.ge [sflag:s19], $0x800  }
0x4b: {  	s26 =	sshra.s32 s26, $0x2;
	[sflag:s19] =	ssyncset.done $0x0  }
0x4c: {  	s28 =	sadd.s32 $0x80, s26;
	[sflag:s19] =	ssyncadd.s32 $0xFFFFF800  }
0x4d: {  	[tilespmem:s20], [sflag:$0x1] =	stream.indirect.gather [hbm4b:s4+s18], $0x10, s28, s18, $0xb8;
	[tilespmem:$0x8800] =	vst v63  }
0x4e: {  	s28 =	sadd.s32 $0x2800, s26  }
0x4f: {  	[spmem:s2] =	stream.indirect.scatter.add.f32 [tilespmem:s15], [sflag:$0x2], $0x10, s28, s18, $0xb8;
	[tilespmem:$0x8800] =	vst v63  }
0x50: {  	_ =	swait.ge [sflag:s16], $0x800  }
0x51: {  	[sflag:s16] =	ssyncset.done $0x0  }
0x52: {  	[sflag:s16] =	ssyncadd.s32 $0xFFFFF800  }
0x53: {  	_ =	swait.ge [sflag:s19], $0x800  }
0x54: {  	[sflag:s19] =	ssyncset.done $0x0  }
0x55: {  	s28 =	sadd.s32 $0x100, s26;
	[sflag:s19] =	ssyncadd.s32 $0xFFFFF800  }
0x56: {  	[tilespmem:s15], [sflag:$0x1] =	stream.indirect.gather [hbm4b:s4+s18], $0x10, s28, s18, $0xb8;
	[tilespmem:$0x8800] =	vst v63  }
.Ltmp1:
0x57: {  	_ = 	snop;
	(pc) =	sbr.rel @p1 .LBB2_4-.Ltmp1, $4  }
0x58: {  	s26 =	sadd.s32 $0x2880, s26  }
0x59: {  	[spmem:s2] =	stream.indirect.scatter.add.f32 [tilespmem:s20], [sflag:$0x2], $0x10, s26, s18, $0xb8;
	[tilespmem:$0x8800] =	vst v63  }
0x5a: {  	_ =	swait.ge [sflag:s16], $0x800  }
0x5b: {  	[sflag:s16] =	ssyncset.done $0x0  }
0x5c: {  	[sflag:s16] =	ssyncadd.s32 $0xFFFFF800  }
0x5d: {  	_ =	swait.ge [sflag:s19], $0x800  }
0x5e: {  	[sflag:s19] =	ssyncset.done $0x0  }
0x5f: {  	[sflag:s19] =	ssyncadd.s32 $0xFFFFF800  }
0x60: {  	[tilespmem:s20], [sflag:$0x1] =	stream.indirect.gather [hbm4b:s4+s18], $0x10, s21, s18, $0xb8;
	[tilespmem:$0x8800] =	vst v63  }
0x61: {  	_ = 	snop  }
0x62: {  	[spmem:s2] =	stream.indirect.scatter.add.f32 [tilespmem:s15], [sflag:$0x2], $0x10, s22, s18, $0xb8;
	[tilespmem:$0x8800] =	vst v63  }
0x63: {  	_ =	swait.ge [sflag:s16], $0x800  }
0x64: {  	[sflag:s16] =	ssyncset.done $0x0  }
0x65: {  	[sflag:s16] =	ssyncadd.s32 $0xFFFFF800  }
0x66: {  	_ =	swait.ge [sflag:s19], $0x800  }
0x67: {  	[sflag:s19] =	ssyncset.done $0x0  }
0x68: {  	[sflag:s19] =	ssyncadd.s32 $0xFFFFF800  }
0x69: {  	[spmem:s2] =	stream.indirect.scatter.add.f32 [tilespmem:s20], [sflag:$0x2], $0x10, s23, s18, $0xb8;
	[tilespmem:$0x8800] =	vst v63  }
0x6a: {  	_ =	swait.ge [sflag:s16], $0x800  }
0x6b: {  	[sflag:s16] =	ssyncset.done $0x0  }
0x6c: {  	[sflag:s16] =	ssyncadd.s32 $0xFFFFF800  }
0x6d: {  	s25 =	simm.s32 @p0 $0x1FC2;
	[bflag:$0x0] =	sbarrier.arrive $0xFFFF  }
0x6e: {  	[hbm:s13], [sflag:s25] =	dma.local @p0 [spmem:s24], $0x320  }
0x6f: {  	s25 =	simm.s32 @p0 $0x2  }
0x70: {  	s3 =	sadd.s32 $0x1, s3;
	_ =	swait.ge @p0 [sflag:s25], $0x320  }
0x71: {  	s26 =	sshll.u32 @!p0 s0, $0x6;
	p1 =	sne.s32 s3, s14;
	[sflag:s25] =	ssyncset.done @p0 $0x0  }
0x72: {  	[sflag:s25] =	ssyncadd.s32 @p0 $0xFFFFFCE0;
	s25 =	sor.u32 @!p0 $0x1C02, s26;
	s26 =	sshrl.u32 @!p0 s5, $0x3  }
0x73: {  	[hbm:s12], [sflag:s25] =	dma.local @!p0 [spmem:s26], $0x500  }
.Ltmp2:
0x74: {  	_ = 	snop;
	(pc) =	sbr.rel @p1 .LBB2_1-.Ltmp2, $4  }
0x75: {  	s25 =	simm.s32 @!p0 $0x2  }
0x76: {  	_ =	swait.ge @!p0 [sflag:s25], $0x500  }
0x77: {  	[sflag:s25] =	ssyncset.done @!p0 $0x0  }
0x78: {  	[sflag:s25] =	ssyncadd.s32 @!p0 $0xFFFFFB00  }
0x79: {  	_ =	sfence.sel $0x180000  }
0x7a: {  	[bflag:$0x0] =	sbarrier.arrive $0xFFFF  }
0x7b: {  	p0 =	sne.s32 s0, $0x0;
	_ =	strace $0x9000004D  }
0x7c: {  	s0 =	sadd.s32 @!p0 $0x100000, s1;
	[bflag:$0x2] =	sbarrier.arrive $0xFFFF  }
0x7d: {  	[sflag:s0] =	ssyncadd.tile.s32 @!p0 $0x1;
	_ =	shalt  }
.Lfunc_end2:
_tile_overlayer_lowered:
.L_overlay_start_2:
0x7e: {  	(tag) =	ssettag $0x2  }
0x7f: {  	s0 =	rddreg [dreg:$0x0];
	s2 =	stileid.u32  }
0x80: {  	s1 =	rddreg [dreg:$0x1];
	p0 =	sne.s32 s2, $0x0  }
0x81: {  	s3 =	rddreg [dreg:$0x2];
	[bflag:$0x3] =	sbarrier.arrive $0xFFFF;
	s2 =	simm.s32 @!p0 $0x1C02  }
0x82: {  	[timem:s3], [sflag:s2] =	dma.local @!p0 [hbm:s0], s1  }
0x83: {  	s0 =	simm.s32 @!p0 $0x2  }
0x84: {  	_ =	swait.ge @!p0 [sflag:s0], s1  }
0x85: {  	s1 =	ssub.s32 @!p0 $0x0, s1;
	[sflag:s0] =	ssyncset.done @!p0 $0x0  }
0x86: {  	[sflag:s0] =	ssyncadd.s32 @!p0 s1  }
0x87: {  	[bflag:$0x3] =	sbarrier.arrive $0xFFFF  }
0x88: {  	_ =	shalt  }

// kernel: kernel.8.cloned.1.call-start
scs
__scs_entry_jumppad:
0x0: {  	(pc) =	sbr.rel $0x88, $3  }
0x1: {  	(tag) =	ssettag $0x0;
	lr =	simm.s32 $0x1  }
0x2: {  	[smem:$0x3F9B] =	sst lr;
	_ =	strace $0xD0000000  }
0x3: {  	_ = 	snop  }
0x4: {  	_ = 	snop  }
0x5: {  	_ = 	snop  }
0x6: {  	_ = 	snop  }
0x7: {  	_ = 	snop  }
__scs_overlays_trampoline_lowered:
0x8: {  	[smem:$0x3FAA] =	sst s0  }
0x9: {  	[smem:$0x3FAB] =	sst s1  }
0xa: {  	[smem:$0x3FAC] =	sst s2  }
0xb: {  	[smem:$0x3FAD] =	sst s3  }
0xc: {  	[smem:$0x3FAE] =	sst s4  }
0xd: {  	[smem:$0x3FAF] =	sst s5  }
0xe: {  	[smem:$0x3FB0] =	sst s6  }
0xf: {  	[smem:$0x3FB1] =	sst s7  }
0x10: {  	[smem:$0x3FB2] =	sst s8  }
0x11: {  	[smem:$0x3FB3] =	sst s9;
	s0 =	simm.s32 @!p0 $0x0  }
0x12: {  	s1 =	sld [smem:$0x3F99];
	s0 =	simm.s32 @p0 $0x1  }
0x13: {  	[smem:$0x3FB4] =	sst s0;
	s0 =	simm.s32 @!p1 $0x0  }
0x14: {  	s2 =	sld [smem:$0x3F98];
	s0 =	simm.s32 @p1 $0x1  }
0x15: {  	[smem:$0x3FB5] =	sst s0;
	s0 =	simm.s32 @!p2 $0x0  }
0x16: {  	s3 =	sld [smem:$0x3FDB];
	s0 =	simm.s32 @p2 $0x1  }
0x17: {  	s4 =	simm.s32 $0x1BF5;
	[smem:$0x3FB7] =	sst s0  }
0x18: {  	s0 =	sld [smem:$0x3F9A];
	_ =	swait.ge [sflag:s4], $0x0  }
0x19: {  	s7 =	sld [smem:$0x3F9B]  }
0x1a: {  	s8 =	sadd.s32 $0xFFFFE003, lr  }
0x1b: {  	s9 =	sadd.s32 $0xFFFFFEF7, lr;
	s5 =	simm.s32 $0xFFFFFFFF;
	p2 =	slt.u32 s8, $0xFFFFF086  }
0x1c: {  	p1 =	slt.u32 s9, $0xF7A;
	s5 =	simm.s32 @!p2 $0x0  }
0x1d: {  	s5 =	simm.s32 @p1 $0x1;
	p0 =	seq.s32 s7, s2  }
0x1e: {  	s7 =	smul.u32 @!p0 $0xF7A, s2;
	p2 =	seq.s32 @!p0 s5, $0x0  }
0x1f: {  	s9 =	smul.u32 $0xF7A, s1;
	s8 =	simm.s32 @!p0 $0x1BF5;
	p2 =	por !p2, p0  }
0x20: {  	[sflag:s8] =	ssyncset.s32 @!p0 $0xFFFFF086;
	s6 =	sadd.s32 @!p0 s3, s7;
	s7 =	simm.s32 @!p0 $0x108  }
0x21: {  	s3 =	sadd.s32 s3, s9;
	s6 =	sadd.s32 @!p0 $0x88, s6;
	s7 =	simm.s32 @p2 $0x1082  }
0x22: {  	[simem:s7], [sflag:s8] =	dma.local @!p0 [hbm:s6], $0xF7A  }
0x23: {  	s9 =	sor.u32 $0xD0000000, s2;
	s6 =	simm.s32 $0x108;
	_ =	swait.ge @!p0 [sflag:s8], $0x0  }
0x24: {  	s3 =	sadd.s32 $0x88, s3;
	s6 =	simm.s32 @!p1 $0x1082;
	[sflag:s4] =	ssyncset.s32 $0xFFFFF086  }
0x25: {  	[simem:s6], [sflag:s4] =	dma.local [hbm:s3], $0xF7A  }
0x26: {  	[smem:$0x3F9B] =	sst s1;
	(tag) =	ssettag s2;
	_ =	strace s9  }
0x27: {  	s1 =	sld [smem:$0x3FAB]  }
0x28: {  	s2 =	sld [smem:$0x3FAC]  }
0x29: {  	s4 =	sld [smem:$0x3FAE]  }
0x2a: {  	p0 =	seq.s32 s5, $0x0;
	s5 =	sld [smem:$0x3FAF]  }
0x2b: {  	s6 =	sld [smem:$0x3FB0]  }
0x2c: {  	s7 =	sld [smem:$0x3FB1]  }
0x2d: {  	s3 =	simm.s32 $0x108;
	s8 =	sld [smem:$0x3FB2]  }
0x2e: {  	s3 =	simm.s32 @!p0 $0x1082;
	s9 =	sld [smem:$0x3FB3]  }
0x2f: {  	lr =	sadd.s32 s0, s3;
	s0 =	sld [smem:$0x3FAA]  }
0x30: {  	s3 =	sld [smem:$0x3FAD]  }
0x31: {  	[smem:$0x3FB6] =	sst s10  }
0x32: {  	s10 =	sld [smem:$0x3FB4];
	_ =	sdelay $0x3  }
0x33: {  	p0 =	seq.s32 s10, $0x1;
	s10 =	sld [smem:$0x3FB6];
	_ =	sdelay $0x3  }
0x34: {  	[smem:$0x3FB6] =	sst s10  }
0x35: {  	s10 =	sld [smem:$0x3FB5];
	_ =	sdelay $0x3  }
0x36: {  	p1 =	seq.s32 s10, $0x1;
	s10 =	sld [smem:$0x3FB6];
	_ =	sdelay $0x3  }
0x37: {  	[smem:$0x3FB6] =	sst s10  }
0x38: {  	s10 =	sld [smem:$0x3FB7]  }
0x39: {  	_ = 	snop;
	(pc) =	sbr.ind lr, $3  }
0x3a: {  	_ = 	snop  }
0x3b: {  	_ = 	snop  }
0x3c: {  	p2 =	seq.s32 s10, $0x1;
	s10 =	sld [smem:$0x3FB6]  }
0x3d: {  	_ =	shalt  }
0x3e: {  	_ =	shalt  }
0x3f: {  	_ =	shalt  }
0x40: {  	_ =	shalt  }
0x41: {  	_ =	shalt  }
0x42: {  	_ =	shalt  }
0x43: {  	_ =	shalt  }
0x44: {  	_ =	shalt  }
0x45: {  	_ =	shalt  }
0x46: {  	_ =	shalt  }
0x47: {  	_ =	shalt  }
0x48: {  	_ =	shalt  }
0x49: {  	_ =	shalt  }
0x4a: {  	_ =	shalt  }
0x4b: {  	_ =	shalt  }
0x4c: {  	_ =	shalt  }
0x4d: {  	_ =	shalt  }
0x4e: {  	_ =	shalt  }
0x4f: {  	_ =	shalt  }
0x50: {  	_ =	shalt  }
0x51: {  	_ =	shalt  }
0x52: {  	_ =	shalt  }
0x53: {  	_ =	shalt  }
0x54: {  	_ =	shalt  }
0x55: {  	_ =	shalt  }
0x56: {  	_ =	shalt  }
0x57: {  	_ =	shalt  }
0x58: {  	_ =	shalt  }
0x59: {  	_ =	shalt  }
0x5a: {  	_ =	shalt  }
0x5b: {  	_ =	shalt  }
0x5c: {  	_ =	shalt  }
0x5d: {  	_ =	shalt  }
0x5e: {  	_ =	shalt  }
0x5f: {  	_ =	shalt  }
0x60: {  	_ =	shalt  }
0x61: {  	_ =	shalt  }
0x62: {  	_ =	shalt  }
0x63: {  	_ =	shalt  }
0x64: {  	_ =	shalt  }
0x65: {  	_ =	shalt  }
0x66: {  	_ =	shalt  }
0x67: {  	_ =	shalt  }
0x68: {  	_ =	shalt  }
0x69: {  	_ =	shalt  }
0x6a: {  	_ =	shalt  }
0x6b: {  	_ =	shalt  }
0x6c: {  	_ =	shalt  }
0x6d: {  	_ =	shalt  }
0x6e: {  	_ =	shalt  }
0x6f: {  	_ =	shalt  }
0x70: {  	_ =	shalt  }
0x71: {  	_ =	shalt  }
0x72: {  	_ =	shalt  }
0x73: {  	_ =	shalt  }
0x74: {  	_ =	shalt  }
0x75: {  	_ =	shalt  }
0x76: {  	_ =	shalt  }
0x77: {  	_ =	shalt  }
0x78: {  	_ =	shalt  }
0x79: {  	_ =	shalt  }
0x7a: {  	_ =	shalt  }
0x7b: {  	_ =	shalt  }
0x7c: {  	_ =	shalt  }
0x7d: {  	_ =	shalt  }
0x7e: {  	_ =	shalt  }
0x7f: {  	_ =	shalt  }
0x80: {  	_ =	shalt  }
0x81: {  	_ =	shalt  }
0x82: {  	_ =	shalt  }
0x83: {  	_ =	shalt  }
0x84: {  	_ =	shalt  }
0x85: {  	_ =	shalt  }
0x86: {  	_ =	shalt  }
0x87: {  	_ =	shalt  }
.Lfunc_end0:
.L_simem_size_0:
called_computation_lowered:
.L_overlay_start_0:
0x88: {  	s2 =	sld [smem:$0x3FD9]  }
0x89: {  	s3 =	sld [smem:$0x3FFE];
	_ =	sdelay $0x1  }
0x8a: {  	s1 =	srdreg.scid  }
0x8b: {  	s0 =	sand.u32 $0x1, s1  }
0x8c: {  	s16 =	sshll.u32 s0, $0xA;
	s2 =	sadd.s32 s3, s2  }
0x8d: {  	s2 =	sadd.s32 s2, s16  }
0x8e: {  	[smem:$0x3FC2] =	sst s2  }
0x8f: {  	_ = 	snop  }
0x90: {  	(tm) =	ssettm $0x1  }
0x91: {  	s17 =	sld [smem:$0x3FFB];
	_ =	sdelay $0x3  }
0x92: {  	_ =	strace s17  }
0x93: {  	s2 =	sld [smem:$0x3FFC];
	_ =	sdelay $0x3  }
0x94: {  	_ =	strace s2  }
0x95: {  	s2 =	sld [smem:$0x3FFD];
	_ =	sdelay $0x3  }
0x96: {  	_ =	strace s2  }
0x97: {  	_ =	strace $0x8FFFFFFF  }
0x98: {  	s18 =	sld [smem:$0x3FDB];
	_ =	sdelay $0x1  }
0x99: {  	s19 =	simm.s32 $_scs_section_size  }
0x9a: {  	s4 =	simm.s32 $_size__tile_overlayer_lowered;
	s5 =	simm.s32 $_tile_overlayer_lowered  }
0x9b: {  	s22 =	simm.s32 $0x1BFF;
	s21 =	sshll.u32 s5, $0x1;
	s2 =	sadd.s32 s19, s18  }
0x9c: {  	s6 =	simm.s32 $0x0;
	s20 =	sshll.u32 s4, $0x1;
	s4 =	sadd.s32 s21, s2  }
0x9d: {  	[timem:s6], [sflag:s22] =	dma.local [hbm:s4], s20  }
0x9e: {  	_ =	swait.ge [sflag:s22], s20  }
0x9f: {  	s3 =	ssub.s32 $0x0, s20;
	[sflag:s22] =	ssyncset.done $0x0  }
0xa0: {  	[sflag:s22] =	ssyncadd.s32 s3;
	_ =	sdelay $0x1  }
0xa1: {  	s23 =	simm.s32 $0x1B8B  }
0xa2: {  	_ =	swait.ge [sflag:s23], $0x1  }
0xa3: {  	[sflag:s23] =	ssyncset.done $0x0  }
0xa4: {  	s25 =	simm.s32 $0x1B8E;
	s24 =	sld [smem:$0x3FFE];
	[sflag:s23] =	ssyncadd.s32 $0xFFFFFFFF  }
0xa5: {  	s26 =	simm.s32 $execute0_lowered;
	[smem:$0x3FD2] =	sst s25  }
0xa6: {  	s4 =	sshll.u32 s26, $0x1;
	_ =	strace $0x80000046;
	[dreg:$0x1] =	wrdreg $0xFFFFFFFF  }
0xa7: {  	s28 =	simm.s32 $_size_execute0_lowered;
	s2 =	sadd.s32 s2, s4;
	[dreg:$0x0] =	wrdreg $0x0  }
0xa8: {  	s4 =	sshll.u32 s28, $0x1;
	[dreg:$0x2] =	wrdreg s2  }
0xa9: {  	[dreg:$0x3] =	wrdreg s4  }
0xaa: {  	[dreg:$0x4] =	wrdreg $0xC0  }
0xab: {  	_ =	task [dreg:s6], $0x5FFFF  }
0xac: {  	[dreg:$0x1] =	wrdreg $0xFFFFFFFF  }
0xad: {  	[dreg:$0x0] =	wrdreg $0x60  }
0xae: {  	[dreg:$0x2] =	wrdreg s24  }
0xaf: {  	[dreg:$0x3] =	wrdreg $0x30000  }
0xb0: {  	[dreg:$0x4] =	wrdreg $0x9  }
0xb1: {  	_ =	task.clear_ibuf [dreg:s6], $0x5FFFF;
	_ =	strace $0x90000046  }
0xb2: {  	s29 =	simm.s32 $0x9;
	_ =	strace $0x80000048  }
0xb3: {  	_ =	swait.ge [sflag:s29], $0x1  }
0xb4: {  	[sflag:s29] =	ssyncadd.s32 $0xFFFFFFFF  }
0xb5: {  	_ =	strace $0x90000048  }
0xb6: {  	_ =	sfence  }
0xb7: {  	s30 =	sld [smem:$0x0];
	_ =	sdelay $0x2  }
0xb8: {  	s31 =	sshll.u32 s1, $0xD;
	s1 =	sshrl.u32 s1, $0x2  }
0xb9: {  	s3 =	sand.u32 $0x4000, s31;
	s1 =	sadd.s32 s1, s30  }
0xba: {  	s0 =	sor.u32 s3, s0;
	s1 =	sshll.u32 s1, $0x11  }
0xbb: {  	s0 =	sor.u32 s1, s0  }
0xbc: {  	s0 =	sadd.s32 $0x8F2B, s0  }
0xbd: {  	[sflag:s0] =	ssyncadd.remote.s32 $0x1  }
0xbe: {  	_ =	sfence.sel $0xFFFF  }
0xbf: {  	[dreg:$0x0] =	wrdreg $0xFFFFFFFF;
	(pc) =	sbr.abs _section_cstart, $3  }
0xc0: {  	[dreg:$0x1] =	wrdreg $0xFFFFFFFF  }
0xc1: {  	_ =	task.clear_ibuf [dreg:s6], $0x2FFFF;
	_ =	strace $0x9FFFFFFF  }
0xc2: {  	(tm) =	ssettm $0x7FFFFFFF  }
0xc3: {  	_ =	shalt  }
tec
execute0_lowered:
.L_overlay_start_1:
0x0: {  	(tag) =	ssettag $0x1  }
0x1: {  	s4 =	rddreg [dreg:$0x0];
	s1 =	srdreg.scid  }
0x2: {  	s0 =	stileid.u32;
	s2 =	rddreg [dreg:$0x1];
	s3 =	simm.s32 $0x0  }
0x3: {  	s14 =	simm.s32 $0x1;
	s15 =	simm.s32 $0x80;
	s5 =	sand.u32 $0x1, s1  }
0x4: {  	s6 =	sshll.u32 s0, $0x1;
	s1 =	rddreg [dreg:$0x2];
	s8 =	smul.u32 $0xA000, s0  }
0x5: {  	[smem:$0x7FF] =	sst s3;
	s10 =	smul.u32 $0x2800, s0;
	s11 =	sadd.s32 $0xBA00, s4  }
0x6: {  	s16 =	sadd.s32 $0x25800, s2;
	p0 =	seq.s32 s0, $0xF;
	s6 =	sor.u32 s5, s6  }
0x7: {  	_ =	strace $0x80000047;
	s7 =	ssub.s32 $0x2, s5;
	s13 =	smul.u32 $0x27100, s5  }
0x8: {  	s17 =	sshll.u32 @!p0 s0, $0x6;
	s16 =	sshrl.u32 @p0 s16, $0x3;
	s6 =	smul.u32 $0x500, s6  }
0x9: {  	s30 =	sshrl.u32 s7, $0x1;
	s31 =	sshrl.u32 s8, $0x2;
	s17 =	sor.u32 @!p0 $0x1C01, s17  }
0xa: {  	s12 =	ssub.s32 s7, s30;
	s8 =	sadd.s32 s31, s2;
	s9 =	sadd.s32 s6, s4  }
0xb: {  	s4 =	sadd.s32 s10, s2;
	s5 =	sadd.s32 $0x800, s8;
	s6 =	sadd.s32 $0x1000, s8  }
0xc: {  	s7 =	sadd.s32 $0x1800, s8;
	s8 =	sadd.s32 $0x2000, s8;
	s10 =	sadd.s32 s10, s13  }
0xd: {  	s13 =	sshrl.u32 s13, $0x3;
	s12 =	smax.u32 s12, $0x1;
	s9 =	sadd.s32 $0x1A00, s9  }
0xe: {  	s10 =	sshrl.u32 s10, $0x3;
	s13 =	sadd.s32 s11, s13;
	s18 =	sshrl.u32 @!p0 s4, $0x3  }
0xf: {  	v0 =	vimm.f32 $0.0e+00;
	v1 =	vimm.f32 $1.000000000e+00;
	s10 =	sadd.s32 s11, s10;
	s11 =	sadd.s32 $0x4B00, s13;
	s13 =	simm.s32 $0x2800  }
.LBB2_1:
0x10: {  	s19 =	simm.s32 $0x40;
	s20 =	simm.s32 $0x0  }
.LBB2_2:
0x11: {  	p1 =	sne.s32 s19, $0x1FC0;
	[tilespmem:s20+$0x2800] =	vst v0;
	s20 =	smov.u32 s19;
	s19 =	sadd.s32 $0x40, s19  }
.Ltmp0:
0x12: {  	(pc) =	sbr.rel @p1 .LBB2_2-.Ltmp0, $2  }
0x13: {  	_ =	sdelay $0x2  }
0x14: {  	s20 =	sshra.s32 s20, $0x2  }
0x15: {  	[tilespmem:s20+$0x2800] =	vst v0  }
0x16: {  	[spmem:s4] =	stream.linear.scatter [tilespmem:s13], [sflag:$0x1], $0x800, $0x38;
	[tilespmem:$0x5800] =	vst v63  }
0x17: {  	_ =	swait.ge [sflag:s14], $0x800  }
0x18: {  	[sflag:s14] =	ssyncset.done $0x0  }
0x19: {  	[sflag:s14] =	ssyncadd.s32 $0xFFFFF800  }
0x1a: {  	[spmem:s5] =	stream.linear.scatter [tilespmem:s13], [sflag:$0x1], $0x800, $0x38;
	[tilespmem:$0x5800] =	vst v63  }
0x1b: {  	_ =	swait.ge [sflag:s14], $0x800  }
0x1c: {  	[sflag:s14] =	ssyncset.done $0x0  }
0x1d: {  	[sflag:s14] =	ssyncadd.s32 $0xFFFFF800  }
0x1e: {  	[spmem:s6] =	stream.linear.scatter [tilespmem:s13], [sflag:$0x1], $0x800, $0x38;
	[tilespmem:$0x5800] =	vst v63  }
0x1f: {  	_ =	swait.ge [sflag:s14], $0x800  }
0x20: {  	[sflag:s14] =	ssyncset.done $0x0  }
0x21: {  	[sflag:s14] =	ssyncadd.s32 $0xFFFFF800  }
0x22: {  	[spmem:s7] =	stream.linear.scatter [tilespmem:s13], [sflag:$0x1], $0x800, $0x38;
	[tilespmem:$0x5800] =	vst v63  }
0x23: {  	_ =	swait.ge [sflag:s14], $0x800  }
0x24: {  	[sflag:s14] =	ssyncset.done $0x0  }
0x25: {  	[sflag:s14] =	ssyncadd.s32 $0xFFFFF800  }
0x26: {  	[spmem:s8] =	stream.linear.scatter [tilespmem:s13], [sflag:$0x1], $0x800, $0x38;
	[tilespmem:$0x5800] =	vst v63  }
0x27: {  	_ =	swait.ge [sflag:s14], $0x800  }
0x28: {  	[sflag:s14] =	ssyncset.done $0x0  }
0x29: {  	s19 =	simm.s32 $0x0;
	[sflag:s14] =	ssyncadd.s32 $0xFFFFF800  }
0x2a: {  	[tilespmem:s19], [sflag:$0x1] =	stream.linear.gather [hbm4b:s9+s19], $0x2800, $0x38;
	[tilespmem:$0x5800] =	vst v63  }
0x2b: {  	_ =	swait.ge [sflag:s14], $0x2800  }
0x2c: {  	[sflag:s14] =	ssyncset.done $0x0  }
0x2d: {  	s20 =	simm.s32 $0x0;
	s19 =	simm.s32 $0x40;
	[sflag:s14] =	ssyncadd.s32 $0xFFFFD800  }
.LBB2_4:
0x2e: {  	p1 =	sne.s32 s19, $0x1FC0;
	[tilespmem:s20+$0x2800] =	vst v1;
	s20 =	smov.u32 s19;
	s19 =	sadd.s32 $0x40, s19  }
.Ltmp1:
0x2f: {  	(pc) =	sbr.rel @p1 .LBB2_4-.Ltmp1, $2  }
0x30: {  	_ =	sdelay $0x2  }
0x31: {  	s20 =	sshra.s32 s20, $0x2  }
0x32: {  	[tilespmem:s20+$0x2800] =	vst v1  }
0x33: {  	s19 =	simm.s32 $0x0;
	[bflag:$0x0] =	sbarrier.arrive $0xFFFF  }
0x34: {  	[spmem:s2] =	stream.indirect.scatter.add.f32 [tilespmem:s13], [sflag:$0x1], $0x10, s19, s15, $0xb8;
	[tilespmem:$0x5800] =	vst v63  }
0x35: {  	_ =	swait.ge [sflag:s14], $0x800  }
0x36: {  	s19 =	simm.s32 $0x200;
	[sflag:s14] =	ssyncset.done $0x0  }
.LBB2_6:
0x37: {  	s20 =	sshra.s32 s19, $0x2;
	[sflag:s14] =	ssyncadd.s32 $0xFFFFF800;
	p1 =	sne.s32 s19, $0x9E00  }
0x38: {  	[spmem:s2] =	stream.indirect.scatter.add.f32 [tilespmem:s13], [sflag:$0x1], $0x10, s20, s15, $0xb8;
	[tilespmem:$0x5800] =	vst v63  }
.Ltmp2:
0x39: {  	_ = 	snop;
	(pc) =	sbr.rel @p1 .LBB2_6-.Ltmp2, $4  }
0x3a: {  	_ = 	snop  }
0x3b: {  	s19 =	sadd.s32 $0x200, s19  }
0x3c: {  	_ =	swait.ge [sflag:s14], $0x800  }
0x3d: {  	[sflag:s14] =	ssyncset.done $0x0  }
0x3e: {  	[sflag:s14] =	ssyncadd.s32 $0xFFFFF800  }
0x3f: {  	s19 =	simm.s32 @p0 $0x1FC1;
	[bflag:$0x0] =	sbarrier.arrive $0xFFFF  }
0x40: {  	[hbm:s11], [sflag:s19] =	dma.local @p0 [spmem:s16], $0x320  }
0x41: {  	s19 =	simm.s32 @p0 $0x1  }
0x42: {  	s3 =	sadd.s32 $0x1, s3;
	_ =	swait.ge @p0 [sflag:s19], $0x320  }
0x43: {  	p1 =	sne.s32 s3, s12;
	[sflag:s19] =	ssyncset.done @p0 $0x0  }
.Ltmp3:
0x44: {  	[sflag:s19] =	ssyncadd.s32 @p0 $0xFFFFFCE0;
	s19 =	simm.s32 @!p0 $0x1;
	(pc) =	sbr.rel @p1 .LBB2_1-.Ltmp3, $4  }
0x45: {  	[hbm:s10], [sflag:s17] =	dma.local @!p0 [spmem:s18], $0x500  }
0x46: {  	_ =	swait.ge @!p0 [sflag:s19], $0x500  }
0x47: {  	[sflag:s19] =	ssyncset.done @!p0 $0x0  }
0x48: {  	[sflag:s19] =	ssyncadd.s32 @!p0 $0xFFFFFB00  }
0x49: {  	_ =	sfence.sel $0x180000  }
0x4a: {  	[bflag:$0x0] =	sbarrier.arrive $0xFFFF  }
0x4b: {  	p0 =	sne.s32 s0, $0x0;
	_ =	strace $0x90000047  }
0x4c: {  	s0 =	sadd.s32 @!p0 $0x100000, s1;
	[bflag:$0x2] =	sbarrier.arrive $0xFFFF  }
0x4d: {  	[sflag:s0] =	ssyncadd.tile.s32 @!p0 $0x1;
	_ =	shalt  }
.Lfunc_end2:
_tile_overlayer_lowered:
.L_overlay_start_2:
0x4e: {  	(tag) =	ssettag $0x2  }
0x4f: {  	s0 =	rddreg [dreg:$0x0];
	s2 =	stileid.u32  }
0x50: {  	s1 =	rddreg [dreg:$0x1];
	p0 =	sne.s32 s2, $0x0  }
0x51: {  	s3 =	rddreg [dreg:$0x2];
	[bflag:$0x3] =	sbarrier.arrive $0xFFFF;
	s2 =	simm.s32 @!p0 $0x1C01  }
0x52: {  	[timem:s3], [sflag:s2] =	dma.local @!p0 [hbm:s0], s1  }
0x53: {  	s0 =	simm.s32 @!p0 $0x1  }
0x54: {  	_ =	swait.ge @!p0 [sflag:s0], s1  }
0x55: {  	s1 =	ssub.s32 @!p0 $0x0, s1;
	[sflag:s0] =	ssyncset.done @!p0 $0x0  }
0x56: {  	[sflag:s0] =	ssyncadd.s32 @!p0 s1  }
0x57: {  	[bflag:$0x3] =	sbarrier.arrive $0xFFFF  }
0x58: {  	_ =	shalt  }

</sc_bundles>
